<compile_context>
chip_gen: v7x
topology: tpu7x:2x2x1
jax: 0.10.2.dev20260603
libtpu: 0.0.44.dev20260713+nightly
codegen_flags: <defaults>
</compile_context>

<pallas_src>
import functools

import jax
import jax.numpy as jnp
from jax import lax
from jax.experimental import pallas as pl
from jax.experimental.pallas import tpu as pltpu
from jax.experimental.pallas import tpu_sc as plsc

VOCAB = 1000000
EMB = 32
HIDDEN = 50
OUT = 100
SEQ = 200
BATCH = 4096

NC = 2
NS = 16
NW = NC * NS
BPW = BATCH // NW
NBUF = 4
NSTEP = SEQ // NBUF
ACC_UNROLL = 8

TBLK = 32768
SUB = TBLK // 4
NTBLK = (VOCAB + TBLK - 1) // TBLK
VPAD = NTBLK * TBLK
PK_ROWS = VPAD // 4


def _pack_table_tc(tT):

    def body(t_ref, o_ref):
        xblk = t_ref[...]
        xs = jnp.concatenate(
            [xblk[:, a * SUB:(a + 1) * SUB] for a in range(4)], axis=0)
        eye = jnp.eye(128, dtype=jnp.float32)
        packed = lax.dot_general(
            xs, eye, (((0,), (0,)), ((), ())),
            preferred_element_type=jnp.float32)
        o_ref[...] = packed

    return pl.pallas_call(
        body,
        grid=(NTBLK,),
        in_specs=[pl.BlockSpec((EMB, TBLK), lambda i: (0, i))],
        out_specs=pl.BlockSpec((TBLK // 4, 128), lambda i: (i, 0)),
        out_shape=jax.ShapeDtypeStruct((PK_ROWS, 128), jnp.float32),
    )(tT)


def _pooled_sum_sc(xr, tab_lin):
    mesh = plsc.VectorSubcoreMesh(core_axis_name="c", subcore_axis_name="s")

    @functools.partial(
        pl.kernel,
        mesh=mesh,
        compiler_params=pltpu.CompilerParams(use_tc_tiling_on_sc=False),
        out_type=jax.ShapeDtypeStruct((BATCH, EMB), jnp.float32),
        scratch_types=[
            pltpu.VMEM((SEQ, BPW), jnp.int32),
            pltpu.VMEM((NBUF, BPW, EMB), jnp.float32),
            pltpu.VMEM((BPW, EMB), jnp.float32),
            pltpu.SemaphoreType.DMA,
            pltpu.SemaphoreType.DMA,
            pltpu.SemaphoreType.DMA,
            pltpu.SemaphoreType.DMA,
        ],
    )
    def pool_k(x_hbm, tab_hbm, out_hbm, idx_v, rows_v, acc_v, s0, s1, s2, s3):
        wid = lax.axis_index("s") * NC + lax.axis_index("c")
        base = wid * BPW
        pltpu.sync_copy(x_hbm.at[:, pl.ds(base, BPW)], idx_v)

        sems = (s0, s1, s2, s3)

        z = jnp.zeros((16,), jnp.float32)

        def zbody(j, _):
            for u in range(ACC_UNROLL):
                b = j * ACC_UNROLL + u
                acc_v[b, 0:16] = z
                acc_v[b, 16:32] = z
            return 0

        lax.fori_loop(0, BPW // ACC_UNROLL, zbody, 0)

        def fire(s, k):
            pltpu.async_copy(tab_hbm.at[idx_v.at[s]], rows_v.at[k], sems[k])

        def drain(s, k):
            pltpu.make_async_copy(tab_hbm.at[idx_v.at[s]], rows_v.at[k], sems[k]).wait()

        def accumulate(k):
            def body(j, _):
                for u in range(ACC_UNROLL):
                    b = j * ACC_UNROLL + u
                    plsc.addupdate(acc_v.at[b, pl.ds(0, 16)], rows_v[k, b, 0:16])
                    plsc.addupdate(acc_v.at[b, pl.ds(16, 16)], rows_v[k, b, 16:32])
                return 0

            lax.fori_loop(0, BPW // ACC_UNROLL, body, 0)

        for k in range(NBUF):
            fire(k, k)

        def step(i, _):
            s = NBUF * i
            for k in range(NBUF):
                drain(s + k, k)
                accumulate(k)

                @pl.when(i < NSTEP - 1)
                def _(k=k, s=s):
                    fire(s + NBUF + k, k)

            return 0

        lax.fori_loop(0, NSTEP, step, 0)
        pltpu.sync_copy(acc_v, out_hbm.at[pl.ds(base, BPW)])

    return pool_k(xr, tab_lin)


def _mlp_tc(pooled_sum, age2, w1, wa, b1, w2, b2):

    def body(p_ref, age_ref, w1_ref, wa_ref, b1_ref, w2_ref, b2_ref, o_ref):
        pooled = p_ref[...] * jnp.float32(1.0 / SEQ)
        h = jnp.dot(pooled, w1_ref[...], preferred_element_type=jnp.float32)
        h = h + age_ref[...] * wa_ref[...] + b1_ref[...]
        logits = jnp.dot(h, w2_ref[...], preferred_element_type=jnp.float32)
        logits = logits + b2_ref[...]
        m = jnp.max(logits, axis=-1, keepdims=True)
        s = logits - m
        lse = jnp.log(jnp.sum(jnp.exp(s), axis=-1, keepdims=True))
        o_ref[...] = s - lse

    return pl.pallas_call(
        body,
        out_shape=jax.ShapeDtypeStruct((BATCH, OUT), jnp.float32),
    )(pooled_sum, age2, w1, wa, b1, w2, b2)


def kernel(x, age, emb_table, fc_w, fc_b, hid_w, hid_b):
    tT = jnp.transpose(emb_table)
    tab_pk = _pack_table_tc(tT)
    tab_lin = jnp.reshape(tab_pk, (VPAD, EMB))

    xi = x.astype(jnp.int32)
    xr = ((xi // TBLK) * TBLK) + ((xi % SUB) * 4) + ((xi // SUB) % 4)

    pooled_sum = _pooled_sum_sc(xr, tab_lin)

    age2 = age.reshape(BATCH, 1)
    w1 = fc_w[:, :EMB].T
    wa = fc_w[:, EMB:].T
    b1 = fc_b.reshape(1, HIDDEN)
    w2 = hid_w.T
    b2 = hid_b.reshape(1, OUT)
    return _mlp_tc(pooled_sum, age2, w1, wa, b1, w2, b2)

# --- scband reference (transcript-rebuilt; emitter-appended) ---
"""Pipeline reference for scband-fast-text-38302518346365 (READ-ONLY COPY).

The authoritative reference and input builder live on the scoring server;
editing this copy changes nothing except your own understanding.
"""

import jax, jax.numpy as jnp
import numpy as np

VOCAB = 1000000
EMB = 32
HIDDEN = 50
OUT = 100
SEQ = 200
BATCH = 4096

def setup_inputs(seed: int = 0) -> dict:
    key = jax.random.key(seed)
    k1, k2, k3, k4, k5, k6, k7 = jax.random.split(key, 7)
    x = jax.random.randint(k1, (SEQ, BATCH), 0, VOCAB, dtype=jnp.int64) if jax.config.jax_enable_x64 else jax.random.randint(k1, (SEQ, BATCH), 0, VOCAB).astype(jnp.int32)
    age = jax.random.uniform(k2, (BATCH,), dtype=jnp.float32)
    emb_table = jax.random.normal(k3, (VOCAB, EMB), dtype=jnp.float32)
    fc_w = jax.random.normal(k4, (HIDDEN, EMB + 1), dtype=jnp.float32) * (1.0 / np.sqrt(EMB + 1))
    fc_b = jnp.zeros((HIDDEN,), dtype=jnp.float32)
    hid_w = jax.random.normal(k5, (OUT, HIDDEN), dtype=jnp.float32) * (1.0 / np.sqrt(HIDDEN))
    hid_b = jnp.zeros((OUT,), dtype=jnp.float32)
    return {"x": x, "age": age, "emb_table": emb_table, "fc_w": fc_w, "fc_b": fc_b, "hid_w": hid_w, "hid_b": hid_b}

def reference(x, age, emb_table, fc_w, fc_b, hid_w, hid_b):
    # age: [B] -> [B, 1]
    age2 = jnp.reshape(age, (age.shape[0], 1))
    # embedding lookup: [S, B] -> [S, B, D]
    embedded = jnp.take(emb_table, x, axis=0)
    # permute(1, 0, 2): [B, S, D]
    embedded = jnp.transpose(embedded, (1, 0, 2))
    # avg_pool2d with kernel (S, 1) then squeeze -> mean over seq dim: [B, D]
    pooled = jnp.mean(embedded, axis=1)
    # concat age: [B, D+1]
    concat = jnp.concatenate([pooled, age2], axis=1)
    out = concat @ fc_w.T + fc_b
    logits = out @ hid_w.T + hid_b
    return jax.nn.log_softmax(logits, axis=-1)

if __name__ == "__main__":
    import jax
    _d = setup_inputs()
    print(jax.jit(kernel)(*tuple(_d.values())))

</pallas_src>

<mosaic_0001>
#map = affine_map<(d0, d1) -> (0, 0)>
module attributes {stable_mosaic.version = 14 : i64} {
  func.func @pool_k(%arg0: i32, %arg1: i32, %arg2: memref<200x4096xi32, #tpu.memory_space<hbm>>, %arg3: memref<1015808x32xf32, #tpu.memory_space<hbm>>, %arg4: memref<4096x32xf32, #tpu.memory_space<hbm>>, %arg5: memref<200x128xi32, #tpu.memory_space<vmem>>, %arg6: memref<4x128x32xf32, #tpu.memory_space<vmem>>, %arg7: memref<128x32xf32, #tpu.memory_space<vmem>>, %arg8: memref<!tpu.dma_semaphore, #tpu.memory_space<semaphore_mem>>, %arg9: memref<!tpu.dma_semaphore, #tpu.memory_space<semaphore_mem>>, %arg10: memref<!tpu.dma_semaphore, #tpu.memory_space<semaphore_mem>>, %arg11: memref<!tpu.dma_semaphore, #tpu.memory_space<semaphore_mem>>) attributes {dimension_semantics = [#tpu.dimension_semantics<core_parallel>, #tpu.dimension_semantics<subcore_parallel>], iteration_bounds = array<i64: 2, 16>, scalar_prefetch = 0 : i64, scratch_operands = 7 : i64, tpu.core_type = #tpu.core_type<sc_vector_subcore>, window_params = [{transform_indices = #map}, {transform_indices = #map}, {transform_indices = #map}]} {
    %mul3A = arith.constant 2 : i32
    %mul3A_0 = arith.muli %arg1, %mul3A : i32
    %add3A = arith.addi %mul3A_0, %arg0 : i32
    %mul3A_1 = arith.constant 128 : i32
    %mul3A_2 = arith.muli %add3A, %mul3A_1 : i32
    "tpu.region"() ({
      %run_scoped3A = tpu.sem_alloc : memref<!tpu.dma_semaphore, #tpu.memory_space<semaphore_mem>>
      %dma_start3A_64 = arith.constant 0 : i32
      %dma_start3A_65 = tpu.memref_slice %arg2[%dma_start3A_64, %mul3A_2] : memref<200x4096xi32, #tpu.memory_space<hbm>> -> memref<200x128xi32, #tpu.memory_space<hbm>>
      %dma_start3A_66 = arith.constant 0 : i32
      %dma_start3A_67 = tpu.memref_slice %arg2[%dma_start3A_66, %mul3A_2] : memref<200x4096xi32, #tpu.memory_space<hbm>> -> memref<200x128xi32, #tpu.memory_space<hbm>>
      tpu.enqueue_dma source(%dma_start3A_67 : memref<200x128xi32, #tpu.memory_space<hbm>>) target(%arg5 : memref<200x128xi32, #tpu.memory_space<vmem>>) target_semaphore(%run_scoped3A : memref<!tpu.dma_semaphore, #tpu.memory_space<semaphore_mem>>)
      %dma_wait3A = arith.constant 0 : i32
      %dma_wait3A_68 = tpu.memref_slice %arg2[%dma_wait3A, %mul3A_2] : memref<200x4096xi32, #tpu.memory_space<hbm>> -> memref<200x128xi32, #tpu.memory_space<hbm>>
      %dma_wait3A_69 = arith.constant 0 : i32
      %dma_wait3A_70 = tpu.memref_slice %arg2[%dma_wait3A_69, %mul3A_2] : memref<200x4096xi32, #tpu.memory_space<hbm>> -> memref<200x128xi32, #tpu.memory_space<hbm>>
      tpu.wait_dma2 semaphore(%run_scoped3A : memref<!tpu.dma_semaphore, #tpu.memory_space<semaphore_mem>>) src(%dma_wait3A_70 : memref<200x128xi32, #tpu.memory_space<hbm>>) dst(%arg5 : memref<200x128xi32, #tpu.memory_space<vmem>>)
      tpu.yield
    }) : () -> ()
    %broadcast_in_dim3A = arith.constant 0.000000e+00 : f32
    %broadcast_in_dim3A_3 = vector.broadcast %broadcast_in_dim3A : f32 to vector<16xf32>
    %scan3A = arith.constant 0 : i32
    %scan3A_4 = arith.constant 0 : i32
    %scan3A_5 = arith.constant 16 : i32
    %scan3A_6 = arith.addi %scan3A_4, %scan3A_5 : i32
    %scan3A_7 = arith.constant 1 : i32
    %scan3A_8 = scf.for %scan3A_64 = %scan3A_4 to %scan3A_6 step %scan3A_7 iter_args(%scan3A_65 = %scan3A) -> (i32)  : i32 {
      %mul3A_66 = arith.constant 8 : i32
      %mul3A_67 = arith.muli %scan3A_64, %mul3A_66 : i32
      %add3A_68 = arith.constant 0 : i32
      %add3A_69 = arith.addi %mul3A_67, %add3A_68 : i32
      %swap3A = arith.index_cast %add3A_69 : i32 to index
      %swap3A_70 = arith.constant 0 : index
      %swap3A_71 = tpu.vector_load %arg7[%swap3A, %swap3A_70] {strides = array<i32>} : memref<128x32xf32, #tpu.memory_space<vmem>>, vector<1x16xf32>,
      %swap3A_72 = vector.shape_cast %swap3A_71 : vector<1x16xf32> to vector<16xf32>
      %swap3A_73 = vector.shape_cast %broadcast_in_dim3A_3 : vector<16xf32> to vector<1x16xf32>
      tpu.vector_store %arg7[%swap3A, %swap3A_70], %swap3A_73 {strides = array<i32>} : memref<128x32xf32, #tpu.memory_space<vmem>>, vector<1x16xf32>,
      %swap3A_74 = arith.index_cast %add3A_69 : i32 to index
      %swap3A_75 = arith.constant 16 : index
      %swap3A_76 = tpu.vector_load %arg7[%swap3A_74, %swap3A_75] {strides = array<i32>} : memref<128x32xf32, #tpu.memory_space<vmem>>, vector<1x16xf32>,
      %swap3A_77 = vector.shape_cast %swap3A_76 : vector<1x16xf32> to vector<16xf32>
      %swap3A_78 = vector.shape_cast %broadcast_in_dim3A_3 : vector<16xf32> to vector<1x16xf32>
      tpu.vector_store %arg7[%swap3A_74, %swap3A_75], %swap3A_78 {strides = array<i32>} : memref<128x32xf32, #tpu.memory_space<vmem>>, vector<1x16xf32>,
      %mul3A_79 = arith.constant 8 : i32
      %mul3A_80 = arith.muli %scan3A_64, %mul3A_79 : i32
      %add3A_81 = arith.constant 1 : i32
      %add3A_82 = arith.addi %mul3A_80, %add3A_81 : i32
      %swap3A_83 = arith.index_cast %add3A_82 : i32 to index
      %swap3A_84 = arith.constant 0 : index
      %swap3A_85 = tpu.vector_load %arg7[%swap3A_83, %swap3A_84] {strides = array<i32>} : memref<128x32xf32, #tpu.memory_space<vmem>>, vector<1x16xf32>,
      %swap3A_86 = vector.shape_cast %swap3A_85 : vector<1x16xf32> to vector<16xf32>
      %swap3A_87 = vector.shape_cast %broadcast_in_dim3A_3 : vector<16xf32> to vector<1x16xf32>
      tpu.vector_store %arg7[%swap3A_83, %swap3A_84], %swap3A_87 {strides = array<i32>} : memref<128x32xf32, #tpu.memory_space<vmem>>, vector<1x16xf32>,
      %swap3A_88 = arith.index_cast %add3A_82 : i32 to index
      %swap3A_89 = arith.constant 16 : index
      %swap3A_90 = tpu.vector_load %arg7[%swap3A_88, %swap3A_89] {strides = array<i32>} : memref<128x32xf32, #tpu.memory_space<vmem>>, vector<1x16xf32>,
      %swap3A_91 = vector.shape_cast %swap3A_90 : vector<1x16xf32> to vector<16xf32>
      %swap3A_92 = vector.shape_cast %broadcast_in_dim3A_3 : vector<16xf32> to vector<1x16xf32>
      tpu.vector_store %arg7[%swap3A_88, %swap3A_89], %swap3A_92 {strides = array<i32>} : memref<128x32xf32, #tpu.memory_space<vmem>>, vector<1x16xf32>,
      %mul3A_93 = arith.constant 8 : i32
      %mul3A_94 = arith.muli %scan3A_64, %mul3A_93 : i32
      %add3A_95 = arith.constant 2 : i32
      %add3A_96 = arith.addi %mul3A_94, %add3A_95 : i32
      %swap3A_97 = arith.index_cast %add3A_96 : i32 to index
      %swap3A_98 = arith.constant 0 : index
      %swap3A_99 = tpu.vector_load %arg7[%swap3A_97, %swap3A_98] {strides = array<i32>} : memref<128x32xf32, #tpu.memory_space<vmem>>, vector<1x16xf32>,
      %swap3A_100 = vector.shape_cast %swap3A_99 : vector<1x16xf32> to vector<16xf32>
      %swap3A_101 = vector.shape_cast %broadcast_in_dim3A_3 : vector<16xf32> to vector<1x16xf32>
      tpu.vector_store %arg7[%swap3A_97, %swap3A_98], %swap3A_101 {strides = array<i32>} : memref<128x32xf32, #tpu.memory_space<vmem>>, vector<1x16xf32>,
      %swap3A_102 = arith.index_cast %add3A_96 : i32 to index
      %swap3A_103 = arith.constant 16 : index
      %swap3A_104 = tpu.vector_load %arg7[%swap3A_102, %swap3A_103] {strides = array<i32>} : memref<128x32xf32, #tpu.memory_space<vmem>>, vector<1x16xf32>,
      %swap3A_105 = vector.shape_cast %swap3A_104 : vector<1x16xf32> to vector<16xf32>
      %swap3A_106 = vector.shape_cast %broadcast_in_dim3A_3 : vector<16xf32> to vector<1x16xf32>
      tpu.vector_store %arg7[%swap3A_102, %swap3A_103], %swap3A_106 {strides = array<i32>} : memref<128x32xf32, #tpu.memory_space<vmem>>, vector<1x16xf32>,
      %mul3A_107 = arith.constant 8 : i32
      %mul3A_108 = arith.muli %scan3A_64, %mul3A_107 : i32
      %add3A_109 = arith.constant 3 : i32
      %add3A_110 = arith.addi %mul3A_108, %add3A_109 : i32
      %swap3A_111 = arith.index_cast %add3A_110 : i32 to index
      %swap3A_112 = arith.constant 0 : index
      %swap3A_113 = tpu.vector_load %arg7[%swap3A_111, %swap3A_112] {strides = array<i32>} : memref<128x32xf32, #tpu.memory_space<vmem>>, vector<1x16xf32>,
      %swap3A_114 = vector.shape_cast %swap3A_113 : vector<1x16xf32> to vector<16xf32>
      %swap3A_115 = vector.shape_cast %broadcast_in_dim3A_3 : vector<16xf32> to vector<1x16xf32>
      tpu.vector_store %arg7[%swap3A_111, %swap3A_112], %swap3A_115 {strides = array<i32>} : memref<128x32xf32, #tpu.memory_space<vmem>>, vector<1x16xf32>,
      %swap3A_116 = arith.index_cast %add3A_110 : i32 to index
      %swap3A_117 = arith.constant 16 : index
      %swap3A_118 = tpu.vector_load %arg7[%swap3A_116, %swap3A_117] {strides = array<i32>} : memref<128x32xf32, #tpu.memory_space<vmem>>, vector<1x16xf32>,
      %swap3A_119 = vector.shape_cast %swap3A_118 : vector<1x16xf32> to vector<16xf32>
      %swap3A_120 = vector.shape_cast %broadcast_in_dim3A_3 : vector<16xf32> to vector<1x16xf32>
      tpu.vector_store %arg7[%swap3A_116, %swap3A_117], %swap3A_120 {strides = array<i32>} : memref<128x32xf32, #tpu.memory_space<vmem>>, vector<1x16xf32>,
      %mul3A_121 = arith.constant 8 : i32
      %mul3A_122 = arith.muli %scan3A_64, %mul3A_121 : i32
      %add3A_123 = arith.constant 4 : i32
      %add3A_124 = arith.addi %mul3A_122, %add3A_123 : i32
      %swap3A_125 = arith.index_cast %add3A_124 : i32 to index
      %swap3A_126 = arith.constant 0 : index
      %swap3A_127 = tpu.vector_load %arg7[%swap3A_125, %swap3A_126] {strides = array<i32>} : memref<128x32xf32, #tpu.memory_space<vmem>>, vector<1x16xf32>,
      %swap3A_128 = vector.shape_cast %swap3A_127 : vector<1x16xf32> to vector<16xf32>
      %swap3A_129 = vector.shape_cast %broadcast_in_dim3A_3 : vector<16xf32> to vector<1x16xf32>
      tpu.vector_store %arg7[%swap3A_125, %swap3A_126], %swap3A_129 {strides = array<i32>} : memref<128x32xf32, #tpu.memory_space<vmem>>, vector<1x16xf32>,
      %swap3A_130 = arith.index_cast %add3A_124 : i32 to index
      %swap3A_131 = arith.constant 16 : index
      %swap3A_132 = tpu.vector_load %arg7[%swap3A_130, %swap3A_131] {strides = array<i32>} : memref<128x32xf32, #tpu.memory_space<vmem>>, vector<1x16xf32>,
      %swap3A_133 = vector.shape_cast %swap3A_132 : vector<1x16xf32> to vector<16xf32>
      %swap3A_134 = vector.shape_cast %broadcast_in_dim3A_3 : vector<16xf32> to vector<1x16xf32>
      tpu.vector_store %arg7[%swap3A_130, %swap3A_131], %swap3A_134 {strides = array<i32>} : memref<128x32xf32, #tpu.memory_space<vmem>>, vector<1x16xf32>,
      %mul3A_135 = arith.constant 8 : i32
      %mul3A_136 = arith.muli %scan3A_64, %mul3A_135 : i32
      %add3A_137 = arith.constant 5 : i32
      %add3A_138 = arith.addi %mul3A_136, %add3A_137 : i32
      %swap3A_139 = arith.index_cast %add3A_138 : i32 to index
      %swap3A_140 = arith.constant 0 : index
      %swap3A_141 = tpu.vector_load %arg7[%swap3A_139, %swap3A_140] {strides = array<i32>} : memref<128x32xf32, #tpu.memory_space<vmem>>, vector<1x16xf32>,
      %swap3A_142 = vector.shape_cast %swap3A_141 : vector<1x16xf32> to vector<16xf32>
      %swap3A_143 = vector.shape_cast %broadcast_in_dim3A_3 : vector<16xf32> to vector<1x16xf32>
      tpu.vector_store %arg7[%swap3A_139, %swap3A_140], %swap3A_143 {strides = array<i32>} : memref<128x32xf32, #tpu.memory_space<vmem>>, vector<1x16xf32>,
      %swap3A_144 = arith.index_cast %add3A_138 : i32 to index
      %swap3A_145 = arith.constant 16 : index
      %swap3A_146 = tpu.vector_load %arg7[%swap3A_144, %swap3A_145] {strides = array<i32>} : memref<128x32xf32, #tpu.memory_space<vmem>>, vector<1x16xf32>,
      %swap3A_147 = vector.shape_cast %swap3A_146 : vector<1x16xf32> to vector<16xf32>
      %swap3A_148 = vector.shape_cast %broadcast_in_dim3A_3 : vector<16xf32> to vector<1x16xf32>
      tpu.vector_store %arg7[%swap3A_144, %swap3A_145], %swap3A_148 {strides = array<i32>} : memref<128x32xf32, #tpu.memory_space<vmem>>, vector<1x16xf32>,
      %mul3A_149 = arith.constant 8 : i32
      %mul3A_150 = arith.muli %scan3A_64, %mul3A_149 : i32
      %add3A_151 = arith.constant 6 : i32
      %add3A_152 = arith.addi %mul3A_150, %add3A_151 : i32
      %swap3A_153 = arith.index_cast %add3A_152 : i32 to index
      %swap3A_154 = arith.constant 0 : index
      %swap3A_155 = tpu.vector_load %arg7[%swap3A_153, %swap3A_154] {strides = array<i32>} : memref<128x32xf32, #tpu.memory_space<vmem>>, vector<1x16xf32>,
      %swap3A_156 = vector.shape_cast %swap3A_155 : vector<1x16xf32> to vector<16xf32>
      %swap3A_157 = vector.shape_cast %broadcast_in_dim3A_3 : vector<16xf32> to vector<1x16xf32>
      tpu.vector_store %arg7[%swap3A_153, %swap3A_154], %swap3A_157 {strides = array<i32>} : memref<128x32xf32, #tpu.memory_space<vmem>>, vector<1x16xf32>,
      %swap3A_158 = arith.index_cast %add3A_152 : i32 to index
      %swap3A_159 = arith.constant 16 : index
      %swap3A_160 = tpu.vector_load %arg7[%swap3A_158, %swap3A_159] {strides = array<i32>} : memref<128x32xf32, #tpu.memory_space<vmem>>, vector<1x16xf32>,
      %swap3A_161 = vector.shape_cast %swap3A_160 : vector<1x16xf32> to vector<16xf32>
      %swap3A_162 = vector.shape_cast %broadcast_in_dim3A_3 : vector<16xf32> to vector<1x16xf32>
      tpu.vector_store %arg7[%swap3A_158, %swap3A_159], %swap3A_162 {strides = array<i32>} : memref<128x32xf32, #tpu.memory_space<vmem>>, vector<1x16xf32>,
      %mul3A_163 = arith.constant 8 : i32
      %mul3A_164 = arith.muli %scan3A_64, %mul3A_163 : i32
      %add3A_165 = arith.constant 7 : i32
      %add3A_166 = arith.addi %mul3A_164, %add3A_165 : i32
      %swap3A_167 = arith.index_cast %add3A_166 : i32 to index
      %swap3A_168 = arith.constant 0 : index
      %swap3A_169 = tpu.vector_load %arg7[%swap3A_167, %swap3A_168] {strides = array<i32>} : memref<128x32xf32, #tpu.memory_space<vmem>>, vector<1x16xf32>,
      %swap3A_170 = vector.shape_cast %swap3A_169 : vector<1x16xf32> to vector<16xf32>
      %swap3A_171 = vector.shape_cast %broadcast_in_dim3A_3 : vector<16xf32> to vector<1x16xf32>
      tpu.vector_store %arg7[%swap3A_167, %swap3A_168], %swap3A_171 {strides = array<i32>} : memref<128x32xf32, #tpu.memory_space<vmem>>, vector<1x16xf32>,
      %swap3A_172 = arith.index_cast %add3A_166 : i32 to index
      %swap3A_173 = arith.constant 16 : index
      %swap3A_174 = tpu.vector_load %arg7[%swap3A_172, %swap3A_173] {strides = array<i32>} : memref<128x32xf32, #tpu.memory_space<vmem>>, vector<1x16xf32>,
      %swap3A_175 = vector.shape_cast %swap3A_174 : vector<1x16xf32> to vector<16xf32>
      %swap3A_176 = vector.shape_cast %broadcast_in_dim3A_3 : vector<16xf32> to vector<1x16xf32>
      tpu.vector_store %arg7[%swap3A_172, %swap3A_173], %swap3A_176 {strides = array<i32>} : memref<128x32xf32, #tpu.memory_space<vmem>>, vector<1x16xf32>,
      %scan3A_177 = arith.constant 0 : i32
      scf.yield %scan3A_177 : i32
    }
    %scan3A_9 = arith.constant 16 : i32
    %dma_start3A = arith.constant 0 : i32
    %dma_start3A_10 = arith.constant 0 : i32
    %dma_start3A_11 = arith.constant 0 : i32
    %dma_start3A_12 = arith.constant 0 : i32
    %dma_start3A_13 = tpu.memref_slice %arg6[%dma_start3A_10, %dma_start3A_11, %dma_start3A_12] : memref<4x128x32xf32, #tpu.memory_space<vmem>> -> memref<1x128x32xf32, #tpu.memory_space<vmem>>
    %dma_start3A_14 = tpu.memref_squeeze %dma_start3A_13 : memref<1x128x32xf32, #tpu.memory_space<vmem>> -> memref<128x32xf32, #tpu.memory_space<vmem>>
    %dma_start3A_15 = arith.constant 0 : i32
    %dma_start3A_16 = tpu.memref_slice %arg5[%dma_start3A, %dma_start3A_15] : memref<200x128xi32, #tpu.memory_space<vmem>> -> memref<1x128xi32, #tpu.memory_space<vmem>>
    %dma_start3A_17 = tpu.memref_squeeze %dma_start3A_16 : memref<1x128xi32, #tpu.memory_space<vmem>> -> memref<128xi32, #tpu.memory_space<vmem>>
    %dma_start3A_18 = arith.constant 0 : i32
    %dma_start3A_19 = arith.constant 0 : i32
    %dma_start3A_20 = tpu.memref_slice %arg3[%dma_start3A_18, %dma_start3A_19] : memref<1015808x32xf32, #tpu.memory_space<hbm>> -> memref<1015808x32xf32, #tpu.memory_space<hbm>>
    tpu.enqueue_indirect_dma source(%dma_start3A_20 : memref<1015808x32xf32, #tpu.memory_space<hbm>>) target(%dma_start3A_14 : memref<128x32xf32, #tpu.memory_space<vmem>>) offsets(%dma_start3A_17 : memref<128xi32, #tpu.memory_space<vmem>>) semaphore(%arg8 : memref<!tpu.dma_semaphore, #tpu.memory_space<semaphore_mem>>)
    %dma_start3A_21 = arith.constant 1 : i32
    %dma_start3A_22 = arith.constant 1 : i32
    %dma_start3A_23 = arith.constant 0 : i32
    %dma_start3A_24 = arith.constant 0 : i32
    %dma_start3A_25 = tpu.memref_slice %arg6[%dma_start3A_22, %dma_start3A_23, %dma_start3A_24] : memref<4x128x32xf32, #tpu.memory_space<vmem>> -> memref<1x128x32xf32, #tpu.memory_space<vmem>>
    %dma_start3A_26 = tpu.memref_squeeze %dma_start3A_25 : memref<1x128x32xf32, #tpu.memory_space<vmem>> -> memref<128x32xf32, #tpu.memory_space<vmem>>
    %dma_start3A_27 = arith.constant 0 : i32
    %dma_start3A_28 = tpu.memref_slice %arg5[%dma_start3A_21, %dma_start3A_27] : memref<200x128xi32, #tpu.memory_space<vmem>> -> memref<1x128xi32, #tpu.memory_space<vmem>>
    %dma_start3A_29 = tpu.memref_squeeze %dma_start3A_28 : memref<1x128xi32, #tpu.memory_space<vmem>> -> memref<128xi32, #tpu.memory_space<vmem>>
    %dma_start3A_30 = arith.constant 0 : i32
    %dma_start3A_31 = arith.constant 0 : i32
    %dma_start3A_32 = tpu.memref_slice %arg3[%dma_start3A_30, %dma_start3A_31] : memref<1015808x32xf32, #tpu.memory_space<hbm>> -> memref<1015808x32xf32, #tpu.memory_space<hbm>>
    tpu.enqueue_indirect_dma source(%dma_start3A_32 : memref<1015808x32xf32, #tpu.memory_space<hbm>>) target(%dma_start3A_26 : memref<128x32xf32, #tpu.memory_space<vmem>>) offsets(%dma_start3A_29 : memref<128xi32, #tpu.memory_space<vmem>>) semaphore(%arg9 : memref<!tpu.dma_semaphore, #tpu.memory_space<semaphore_mem>>)
    %dma_start3A_33 = arith.constant 2 : i32
    %dma_start3A_34 = arith.constant 2 : i32
    %dma_start3A_35 = arith.constant 0 : i32
    %dma_start3A_36 = arith.constant 0 : i32
    %dma_start3A_37 = tpu.memref_slice %arg6[%dma_start3A_34, %dma_start3A_35, %dma_start3A_36] : memref<4x128x32xf32, #tpu.memory_space<vmem>> -> memref<1x128x32xf32, #tpu.memory_space<vmem>>
    %dma_start3A_38 = tpu.memref_squeeze %dma_start3A_37 : memref<1x128x32xf32, #tpu.memory_space<vmem>> -> memref<128x32xf32, #tpu.memory_space<vmem>>
    %dma_start3A_39 = arith.constant 0 : i32
    %dma_start3A_40 = tpu.memref_slice %arg5[%dma_start3A_33, %dma_start3A_39] : memref<200x128xi32, #tpu.memory_space<vmem>> -> memref<1x128xi32, #tpu.memory_space<vmem>>
    %dma_start3A_41 = tpu.memref_squeeze %dma_start3A_40 : memref<1x128xi32, #tpu.memory_space<vmem>> -> memref<128xi32, #tpu.memory_space<vmem>>
    %dma_start3A_42 = arith.constant 0 : i32
    %dma_start3A_43 = arith.constant 0 : i32
    %dma_start3A_44 = tpu.memref_slice %arg3[%dma_start3A_42, %dma_start3A_43] : memref<1015808x32xf32, #tpu.memory_space<hbm>> -> memref<1015808x32xf32, #tpu.memory_space<hbm>>
    tpu.enqueue_indirect_dma source(%dma_start3A_44 : memref<1015808x32xf32, #tpu.memory_space<hbm>>) target(%dma_start3A_38 : memref<128x32xf32, #tpu.memory_space<vmem>>) offsets(%dma_start3A_41 : memref<128xi32, #tpu.memory_space<vmem>>) semaphore(%arg10 : memref<!tpu.dma_semaphore, #tpu.memory_space<semaphore_mem>>)
    %dma_start3A_45 = arith.constant 3 : i32
    %dma_start3A_46 = arith.constant 3 : i32
    %dma_start3A_47 = arith.constant 0 : i32
    %dma_start3A_48 = arith.constant 0 : i32
    %dma_start3A_49 = tpu.memref_slice %arg6[%dma_start3A_46, %dma_start3A_47, %dma_start3A_48] : memref<4x128x32xf32, #tpu.memory_space<vmem>> -> memref<1x128x32xf32, #tpu.memory_space<vmem>>
    %dma_start3A_50 = tpu.memref_squeeze %dma_start3A_49 : memref<1x128x32xf32, #tpu.memory_space<vmem>> -> memref<128x32xf32, #tpu.memory_space<vmem>>
    %dma_start3A_51 = arith.constant 0 : i32
    %dma_start3A_52 = tpu.memref_slice %arg5[%dma_start3A_45, %dma_start3A_51] : memref<200x128xi32, #tpu.memory_space<vmem>> -> memref<1x128xi32, #tpu.memory_space<vmem>>
    %dma_start3A_53 = tpu.memref_squeeze %dma_start3A_52 : memref<1x128xi32, #tpu.memory_space<vmem>> -> memref<128xi32, #tpu.memory_space<vmem>>
    %dma_start3A_54 = arith.constant 0 : i32
    %dma_start3A_55 = arith.constant 0 : i32
    %dma_start3A_56 = tpu.memref_slice %arg3[%dma_start3A_54, %dma_start3A_55] : memref<1015808x32xf32, #tpu.memory_space<hbm>> -> memref<1015808x32xf32, #tpu.memory_space<hbm>>
    tpu.enqueue_indirect_dma source(%dma_start3A_56 : memref<1015808x32xf32, #tpu.memory_space<hbm>>) target(%dma_start3A_50 : memref<128x32xf32, #tpu.memory_space<vmem>>) offsets(%dma_start3A_53 : memref<128xi32, #tpu.memory_space<vmem>>) semaphore(%arg11 : memref<!tpu.dma_semaphore, #tpu.memory_space<semaphore_mem>>)
    %scan3A_57 = arith.constant 0 : i32
    %scan3A_58 = arith.constant 0 : i32
    %scan3A_59 = arith.constant 50 : i32
    %scan3A_60 = arith.addi %scan3A_58, %scan3A_59 : i32
    %scan3A_61 = arith.constant 1 : i32
    %scan3A_62 = scf.for %scan3A_64 = %scan3A_58 to %scan3A_60 step %scan3A_61 iter_args(%scan3A_65 = %scan3A_57) -> (i32)  : i32 {
      %mul3A_66 = arith.constant 4 : i32
      %mul3A_67 = arith.muli %mul3A_66, %scan3A_64 : i32
      %add3A_68 = arith.constant 0 : i32
      %add3A_69 = arith.addi %mul3A_67, %add3A_68 : i32
      %dma_wait3A = arith.constant 0 : i32
      %dma_wait3A_70 = arith.constant 0 : i32
      %dma_wait3A_71 = arith.constant 0 : i32
      %dma_wait3A_72 = tpu.memref_slice %arg6[%dma_wait3A, %dma_wait3A_70, %dma_wait3A_71] : memref<4x128x32xf32, #tpu.memory_space<vmem>> -> memref<1x128x32xf32, #tpu.memory_space<vmem>>
      %dma_wait3A_73 = tpu.memref_squeeze %dma_wait3A_72 : memref<1x128x32xf32, #tpu.memory_space<vmem>> -> memref<128x32xf32, #tpu.memory_space<vmem>>
      %dma_wait3A_74 = arith.constant 0 : i32
      %dma_wait3A_75 = tpu.memref_slice %arg5[%add3A_69, %dma_wait3A_74] : memref<200x128xi32, #tpu.memory_space<vmem>> -> memref<1x128xi32, #tpu.memory_space<vmem>>
      %dma_wait3A_76 = tpu.memref_squeeze %dma_wait3A_75 : memref<1x128xi32, #tpu.memory_space<vmem>> -> memref<128xi32, #tpu.memory_space<vmem>>
      %dma_wait3A_77 = arith.constant 0 : i32
      %dma_wait3A_78 = arith.constant 0 : i32
      %dma_wait3A_79 = tpu.memref_slice %arg3[%dma_wait3A_77, %dma_wait3A_78] : memref<1015808x32xf32, #tpu.memory_space<hbm>> -> memref<1015808x32xf32, #tpu.memory_space<hbm>>
      tpu.wait_indirect_dma semaphore(%arg8 : memref<!tpu.dma_semaphore, #tpu.memory_space<semaphore_mem>>) src(%dma_wait3A_79 : memref<1015808x32xf32, #tpu.memory_space<hbm>>) dst(%dma_wait3A_73 : memref<128x32xf32, #tpu.memory_space<vmem>>)
      %scan3A_80 = arith.constant 0 : i32
      %scan3A_81 = arith.constant 0 : i32
      %scan3A_82 = arith.constant 16 : i32
      %scan3A_83 = arith.addi %scan3A_81, %scan3A_82 : i32
      %scan3A_84 = arith.constant 1 : i32
      %scan3A_85 = scf.for %scan3A_165 = %scan3A_81 to %scan3A_83 step %scan3A_84 iter_args(%scan3A_166 = %scan3A_80) -> (i32)  : i32 {
        %mul3A_167 = arith.constant 8 : i32
        %mul3A_168 = arith.muli %scan3A_165, %mul3A_167 : i32
        %add3A_169 = arith.constant 0 : i32
        %add3A_170 = arith.addi %mul3A_168, %add3A_169 : i32
        %get3A = arith.constant 0 : i32
        %get3A_171 = arith.index_cast %get3A : i32 to index
        %get3A_172 = arith.index_cast %add3A_170 : i32 to index
        %get3A_173 = arith.constant 0 : index
        %get3A_174 = tpu.vector_load %arg6[%get3A_171, %get3A_172, %get3A_173] {strides = array<i32>} : memref<4x128x32xf32, #tpu.memory_space<vmem>>, vector<1x1x16xf32>,
        %get3A_175 = vector.shape_cast %get3A_174 : vector<1x1x16xf32> to vector<16xf32>
        %swap3A = arith.index_cast %add3A_170 : i32 to index
        %swap3A_176 = arith.constant 0 : index
        %swap3A_177 = tpu.vector_load %arg7[%swap3A, %swap3A_176] {strides = array<i32>} : memref<128x32xf32, #tpu.memory_space<vmem>>, vector<1x16xf32>,
        %swap3A_178 = vector.shape_cast %swap3A_177 : vector<1x16xf32> to vector<16xf32>
        %swap3A_179 = vector.shape_cast %get3A_175 : vector<16xf32> to vector<1x16xf32>
        tpu.vector_store %arg7[%swap3A, %swap3A_176], %swap3A_179 {add = true, strides = array<i32>} : memref<128x32xf32, #tpu.memory_space<vmem>>, vector<1x16xf32>,
        %get3A_180 = arith.constant 0 : i32
        %get3A_181 = arith.index_cast %get3A_180 : i32 to index
        %get3A_182 = arith.index_cast %add3A_170 : i32 to index
        %get3A_183 = arith.constant 16 : index
        %get3A_184 = tpu.vector_load %arg6[%get3A_181, %get3A_182, %get3A_183] {strides = array<i32>} : memref<4x128x32xf32, #tpu.memory_space<vmem>>, vector<1x1x16xf32>,
        %get3A_185 = vector.shape_cast %get3A_184 : vector<1x1x16xf32> to vector<16xf32>
        %swap3A_186 = arith.index_cast %add3A_170 : i32 to index
        %swap3A_187 = arith.constant 16 : index
        %swap3A_188 = tpu.vector_load %arg7[%swap3A_186, %swap3A_187] {strides = array<i32>} : memref<128x32xf32, #tpu.memory_space<vmem>>, vector<1x16xf32>,
        %swap3A_189 = vector.shape_cast %swap3A_188 : vector<1x16xf32> to vector<16xf32>
        %swap3A_190 = vector.shape_cast %get3A_185 : vector<16xf32> to vector<1x16xf32>
        tpu.vector_store %arg7[%swap3A_186, %swap3A_187], %swap3A_190 {add = true, strides = array<i32>} : memref<128x32xf32, #tpu.memory_space<vmem>>, vector<1x16xf32>,
        %mul3A_191 = arith.constant 8 : i32
        %mul3A_192 = arith.muli %scan3A_165, %mul3A_191 : i32
        %add3A_193 = arith.constant 1 : i32
        %add3A_194 = arith.addi %mul3A_192, %add3A_193 : i32
        %get3A_195 = arith.constant 0 : i32
        %get3A_196 = arith.index_cast %get3A_195 : i32 to index
        %get3A_197 = arith.index_cast %add3A_194 : i32 to index
        %get3A_198 = arith.constant 0 : index
        %get3A_199 = tpu.vector_load %arg6[%get3A_196, %get3A_197, %get3A_198] {strides = array<i32>} : memref<4x128x32xf32, #tpu.memory_space<vmem>>, vector<1x1x16xf32>,
        %get3A_200 = vector.shape_cast %get3A_199 : vector<1x1x16xf32> to vector<16xf32>
        %swap3A_201 = arith.index_cast %add3A_194 : i32 to index
        %swap3A_202 = arith.constant 0 : index
        %swap3A_203 = tpu.vector_load %arg7[%swap3A_201, %swap3A_202] {strides = array<i32>} : memref<128x32xf32, #tpu.memory_space<vmem>>, vector<1x16xf32>,
        %swap3A_204 = vector.shape_cast %swap3A_203 : vector<1x16xf32> to vector<16xf32>
        %swap3A_205 = vector.shape_cast %get3A_200 : vector<16xf32> to vector<1x16xf32>
        tpu.vector_store %arg7[%swap3A_201, %swap3A_202], %swap3A_205 {add = true, strides = array<i32>} : memref<128x32xf32, #tpu.memory_space<vmem>>, vector<1x16xf32>,
        %get3A_206 = arith.constant 0 : i32
        %get3A_207 = arith.index_cast %get3A_206 : i32 to index
        %get3A_208 = arith.index_cast %add3A_194 : i32 to index
        %get3A_209 = arith.constant 16 : index
        %get3A_210 = tpu.vector_load %arg6[%get3A_207, %get3A_208, %get3A_209] {strides = array<i32>} : memref<4x128x32xf32, #tpu.memory_space<vmem>>, vector<1x1x16xf32>,
        %get3A_211 = vector.shape_cast %get3A_210 : vector<1x1x16xf32> to vector<16xf32>
        %swap3A_212 = arith.index_cast %add3A_194 : i32 to index
        %swap3A_213 = arith.constant 16 : index
        %swap3A_214 = tpu.vector_load %arg7[%swap3A_212, %swap3A_213] {strides = array<i32>} : memref<128x32xf32, #tpu.memory_space<vmem>>, vector<1x16xf32>,
        %swap3A_215 = vector.shape_cast %swap3A_214 : vector<1x16xf32> to vector<16xf32>
        %swap3A_216 = vector.shape_cast %get3A_211 : vector<16xf32> to vector<1x16xf32>
        tpu.vector_store %arg7[%swap3A_212, %swap3A_213], %swap3A_216 {add = true, strides = array<i32>} : memref<128x32xf32, #tpu.memory_space<vmem>>, vector<1x16xf32>,
        %mul3A_217 = arith.constant 8 : i32
        %mul3A_218 = arith.muli %scan3A_165, %mul3A_217 : i32
        %add3A_219 = arith.constant 2 : i32
        %add3A_220 = arith.addi %mul3A_218, %add3A_219 : i32
        %get3A_221 = arith.constant 0 : i32
        %get3A_222 = arith.index_cast %get3A_221 : i32 to index
        %get3A_223 = arith.index_cast %add3A_220 : i32 to index
        %get3A_224 = arith.constant 0 : index
        %get3A_225 = tpu.vector_load %arg6[%get3A_222, %get3A_223, %get3A_224] {strides = array<i32>} : memref<4x128x32xf32, #tpu.memory_space<vmem>>, vector<1x1x16xf32>,
        %get3A_226 = vector.shape_cast %get3A_225 : vector<1x1x16xf32> to vector<16xf32>
        %swap3A_227 = arith.index_cast %add3A_220 : i32 to index
        %swap3A_228 = arith.constant 0 : index
        %swap3A_229 = tpu.vector_load %arg7[%swap3A_227, %swap3A_228] {strides = array<i32>} : memref<128x32xf32, #tpu.memory_space<vmem>>, vector<1x16xf32>,
        %swap3A_230 = vector.shape_cast %swap3A_229 : vector<1x16xf32> to vector<16xf32>
        %swap3A_231 = vector.shape_cast %get3A_226 : vector<16xf32> to vector<1x16xf32>
        tpu.vector_store %arg7[%swap3A_227, %swap3A_228], %swap3A_231 {add = true, strides = array<i32>} : memref<128x32xf32, #tpu.memory_space<vmem>>, vector<1x16xf32>,
        %get3A_232 = arith.constant 0 : i32
        %get3A_233 = arith.index_cast %get3A_232 : i32 to index
        %get3A_234 = arith.index_cast %add3A_220 : i32 to index
        %get3A_235 = arith.constant 16 : index
        %get3A_236 = tpu.vector_load %arg6[%get3A_233, %get3A_234, %get3A_235] {strides = array<i32>} : memref<4x128x32xf32, #tpu.memory_space<vmem>>, vector<1x1x16xf32>,
        %get3A_237 = vector.shape_cast %get3A_236 : vector<1x1x16xf32> to vector<16xf32>
        %swap3A_238 = arith.index_cast %add3A_220 : i32 to index
        %swap3A_239 = arith.constant 16 : index
        %swap3A_240 = tpu.vector_load %arg7[%swap3A_238, %swap3A_239] {strides = array<i32>} : memref<128x32xf32, #tpu.memory_space<vmem>>, vector<1x16xf32>,
        %swap3A_241 = vector.shape_cast %swap3A_240 : vector<1x16xf32> to vector<16xf32>
        %swap3A_242 = vector.shape_cast %get3A_237 : vector<16xf32> to vector<1x16xf32>
        tpu.vector_store %arg7[%swap3A_238, %swap3A_239], %swap3A_242 {add = true, strides = array<i32>} : memref<128x32xf32, #tpu.memory_space<vmem>>, vector<1x16xf32>,
        %mul3A_243 = arith.constant 8 : i32
        %mul3A_244 = arith.muli %scan3A_165, %mul3A_243 : i32
        %add3A_245 = arith.constant 3 : i32
        %add3A_246 = arith.addi %mul3A_244, %add3A_245 : i32
        %get3A_247 = arith.constant 0 : i32
        %get3A_248 = arith.index_cast %get3A_247 : i32 to index
        %get3A_249 = arith.index_cast %add3A_246 : i32 to index
        %get3A_250 = arith.constant 0 : index
        %get3A_251 = tpu.vector_load %arg6[%get3A_248, %get3A_249, %get3A_250] {strides = array<i32>} : memref<4x128x32xf32, #tpu.memory_space<vmem>>, vector<1x1x16xf32>,
        %get3A_252 = vector.shape_cast %get3A_251 : vector<1x1x16xf32> to vector<16xf32>
        %swap3A_253 = arith.index_cast %add3A_246 : i32 to index
        %swap3A_254 = arith.constant 0 : index
        %swap3A_255 = tpu.vector_load %arg7[%swap3A_253, %swap3A_254] {strides = array<i32>} : memref<128x32xf32, #tpu.memory_space<vmem>>, vector<1x16xf32>,
        %swap3A_256 = vector.shape_cast %swap3A_255 : vector<1x16xf32> to vector<16xf32>
        %swap3A_257 = vector.shape_cast %get3A_252 : vector<16xf32> to vector<1x16xf32>
        tpu.vector_store %arg7[%swap3A_253, %swap3A_254], %swap3A_257 {add = true, strides = array<i32>} : memref<128x32xf32, #tpu.memory_space<vmem>>, vector<1x16xf32>,
        %get3A_258 = arith.constant 0 : i32
        %get3A_259 = arith.index_cast %get3A_258 : i32 to index
        %get3A_260 = arith.index_cast %add3A_246 : i32 to index
        %get3A_261 = arith.constant 16 : index
        %get3A_262 = tpu.vector_load %arg6[%get3A_259, %get3A_260, %get3A_261] {strides = array<i32>} : memref<4x128x32xf32, #tpu.memory_space<vmem>>, vector<1x1x16xf32>,
        %get3A_263 = vector.shape_cast %get3A_262 : vector<1x1x16xf32> to vector<16xf32>
        %swap3A_264 = arith.index_cast %add3A_246 : i32 to index
        %swap3A_265 = arith.constant 16 : index
        %swap3A_266 = tpu.vector_load %arg7[%swap3A_264, %swap3A_265] {strides = array<i32>} : memref<128x32xf32, #tpu.memory_space<vmem>>, vector<1x16xf32>,
        %swap3A_267 = vector.shape_cast %swap3A_266 : vector<1x16xf32> to vector<16xf32>
        %swap3A_268 = vector.shape_cast %get3A_263 : vector<16xf32> to vector<1x16xf32>
        tpu.vector_store %arg7[%swap3A_264, %swap3A_265], %swap3A_268 {add = true, strides = array<i32>} : memref<128x32xf32, #tpu.memory_space<vmem>>, vector<1x16xf32>,
        %mul3A_269 = arith.constant 8 : i32
        %mul3A_270 = arith.muli %scan3A_165, %mul3A_269 : i32
        %add3A_271 = arith.constant 4 : i32
        %add3A_272 = arith.addi %mul3A_270, %add3A_271 : i32
        %get3A_273 = arith.constant 0 : i32
        %get3A_274 = arith.index_cast %get3A_273 : i32 to index
        %get3A_275 = arith.index_cast %add3A_272 : i32 to index
        %get3A_276 = arith.constant 0 : index
        %get3A_277 = tpu.vector_load %arg6[%get3A_274, %get3A_275, %get3A_276] {strides = array<i32>} : memref<4x128x32xf32, #tpu.memory_space<vmem>>, vector<1x1x16xf32>,
        %get3A_278 = vector.shape_cast %get3A_277 : vector<1x1x16xf32> to vector<16xf32>
        %swap3A_279 = arith.index_cast %add3A_272 : i32 to index
        %swap3A_280 = arith.constant 0 : index
        %swap3A_281 = tpu.vector_load %arg7[%swap3A_279, %swap3A_280] {strides = array<i32>} : memref<128x32xf32, #tpu.memory_space<vmem>>, vector<1x16xf32>,
        %swap3A_282 = vector.shape_cast %swap3A_281 : vector<1x16xf32> to vector<16xf32>
        %swap3A_283 = vector.shape_cast %get3A_278 : vector<16xf32> to vector<1x16xf32>
        tpu.vector_store %arg7[%swap3A_279, %swap3A_280], %swap3A_283 {add = true, strides = array<i32>} : memref<128x32xf32, #tpu.memory_space<vmem>>, vector<1x16xf32>,
        %get3A_284 = arith.constant 0 : i32
        %get3A_285 = arith.index_cast %get3A_284 : i32 to index
        %get3A_286 = arith.index_cast %add3A_272 : i32 to index
        %get3A_287 = arith.constant 16 : index
        %get3A_288 = tpu.vector_load %arg6[%get3A_285, %get3A_286, %get3A_287] {strides = array<i32>} : memref<4x128x32xf32, #tpu.memory_space<vmem>>, vector<1x1x16xf32>,
        %get3A_289 = vector.shape_cast %get3A_288 : vector<1x1x16xf32> to vector<16xf32>
        %swap3A_290 = arith.index_cast %add3A_272 : i32 to index
        %swap3A_291 = arith.constant 16 : index
        %swap3A_292 = tpu.vector_load %arg7[%swap3A_290, %swap3A_291] {strides = array<i32>} : memref<128x32xf32, #tpu.memory_space<vmem>>, vector<1x16xf32>,
        %swap3A_293 = vector.shape_cast %swap3A_292 : vector<1x16xf32> to vector<16xf32>
        %swap3A_294 = vector.shape_cast %get3A_289 : vector<16xf32> to vector<1x16xf32>
        tpu.vector_store %arg7[%swap3A_290, %swap3A_291], %swap3A_294 {add = true, strides = array<i32>} : memref<128x32xf32, #tpu.memory_space<vmem>>, vector<1x16xf32>,
        %mul3A_295 = arith.constant 8 : i32
        %mul3A_296 = arith.muli %scan3A_165, %mul3A_295 : i32
        %add3A_297 = arith.constant 5 : i32
        %add3A_298 = arith.addi %mul3A_296, %add3A_297 : i32
        %get3A_299 = arith.constant 0 : i32
        %get3A_300 = arith.index_cast %get3A_299 : i32 to index
        %get3A_301 = arith.index_cast %add3A_298 : i32 to index
        %get3A_302 = arith.constant 0 : index
        %get3A_303 = tpu.vector_load %arg6[%get3A_300, %get3A_301, %get3A_302] {strides = array<i32>} : memref<4x128x32xf32, #tpu.memory_space<vmem>>, vector<1x1x16xf32>,
        %get3A_304 = vector.shape_cast %get3A_303 : vector<1x1x16xf32> to vector<16xf32>
        %swap3A_305 = arith.index_cast %add3A_298 : i32 to index
        %swap3A_306 = arith.constant 0 : index
        %swap3A_307 = tpu.vector_load %arg7[%swap3A_305, %swap3A_306] {strides = array<i32>} : memref<128x32xf32, #tpu.memory_space<vmem>>, vector<1x16xf32>,
        %swap3A_308 = vector.shape_cast %swap3A_307 : vector<1x16xf32> to vector<16xf32>
        %swap3A_309 = vector.shape_cast %get3A_304 : vector<16xf32> to vector<1x16xf32>
        tpu.vector_store %arg7[%swap3A_305, %swap3A_306], %swap3A_309 {add = true, strides = array<i32>} : memref<128x32xf32, #tpu.memory_space<vmem>>, vector<1x16xf32>,
        %get3A_310 = arith.constant 0 : i32
        %get3A_311 = arith.index_cast %get3A_310 : i32 to index
        %get3A_312 = arith.index_cast %add3A_298 : i32 to index
        %get3A_313 = arith.constant 16 : index
        %get3A_314 = tpu.vector_load %arg6[%get3A_311, %get3A_312, %get3A_313] {strides = array<i32>} : memref<4x128x32xf32, #tpu.memory_space<vmem>>, vector<1x1x16xf32>,
        %get3A_315 = vector.shape_cast %get3A_314 : vector<1x1x16xf32> to vector<16xf32>
        %swap3A_316 = arith.index_cast %add3A_298 : i32 to index
        %swap3A_317 = arith.constant 16 : index
        %swap3A_318 = tpu.vector_load %arg7[%swap3A_316, %swap3A_317] {strides = array<i32>} : memref<128x32xf32, #tpu.memory_space<vmem>>, vector<1x16xf32>,
        %swap3A_319 = vector.shape_cast %swap3A_318 : vector<1x16xf32> to vector<16xf32>
        %swap3A_320 = vector.shape_cast %get3A_315 : vector<16xf32> to vector<1x16xf32>
        tpu.vector_store %arg7[%swap3A_316, %swap3A_317], %swap3A_320 {add = true, strides = array<i32>} : memref<128x32xf32, #tpu.memory_space<vmem>>, vector<1x16xf32>,
        %mul3A_321 = arith.constant 8 : i32
        %mul3A_322 = arith.muli %scan3A_165, %mul3A_321 : i32
        %add3A_323 = arith.constant 6 : i32
        %add3A_324 = arith.addi %mul3A_322, %add3A_323 : i32
        %get3A_325 = arith.constant 0 : i32
        %get3A_326 = arith.index_cast %get3A_325 : i32 to index
        %get3A_327 = arith.index_cast %add3A_324 : i32 to index
        %get3A_328 = arith.constant 0 : index
        %get3A_329 = tpu.vector_load %arg6[%get3A_326, %get3A_327, %get3A_328] {strides = array<i32>} : memref<4x128x32xf32, #tpu.memory_space<vmem>>, vector<1x1x16xf32>,
        %get3A_330 = vector.shape_cast %get3A_329 : vector<1x1x16xf32> to vector<16xf32>
        %swap3A_331 = arith.index_cast %add3A_324 : i32 to index
        %swap3A_332 = arith.constant 0 : index
        %swap3A_333 = tpu.vector_load %arg7[%swap3A_331, %swap3A_332] {strides = array<i32>} : memref<128x32xf32, #tpu.memory_space<vmem>>, vector<1x16xf32>,
        %swap3A_334 = vector.shape_cast %swap3A_333 : vector<1x16xf32> to vector<16xf32>
        %swap3A_335 = vector.shape_cast %get3A_330 : vector<16xf32> to vector<1x16xf32>
        tpu.vector_store %arg7[%swap3A_331, %swap3A_332], %swap3A_335 {add = true, strides = array<i32>} : memref<128x32xf32, #tpu.memory_space<vmem>>, vector<1x16xf32>,
        %get3A_336 = arith.constant 0 : i32
        %get3A_337 = arith.index_cast %get3A_336 : i32 to index
        %get3A_338 = arith.index_cast %add3A_324 : i32 to index
        %get3A_339 = arith.constant 16 : index
        %get3A_340 = tpu.vector_load %arg6[%get3A_337, %get3A_338, %get3A_339] {strides = array<i32>} : memref<4x128x32xf32, #tpu.memory_space<vmem>>, vector<1x1x16xf32>,
        %get3A_341 = vector.shape_cast %get3A_340 : vector<1x1x16xf32> to vector<16xf32>
        %swap3A_342 = arith.index_cast %add3A_324 : i32 to index
        %swap3A_343 = arith.constant 16 : index
        %swap3A_344 = tpu.vector_load %arg7[%swap3A_342, %swap3A_343] {strides = array<i32>} : memref<128x32xf32, #tpu.memory_space<vmem>>, vector<1x16xf32>,
        %swap3A_345 = vector.shape_cast %swap3A_344 : vector<1x16xf32> to vector<16xf32>
        %swap3A_346 = vector.shape_cast %get3A_341 : vector<16xf32> to vector<1x16xf32>
        tpu.vector_store %arg7[%swap3A_342, %swap3A_343], %swap3A_346 {add = true, strides = array<i32>} : memref<128x32xf32, #tpu.memory_space<vmem>>, vector<1x16xf32>,
        %mul3A_347 = arith.constant 8 : i32
        %mul3A_348 = arith.muli %scan3A_165, %mul3A_347 : i32
        %add3A_349 = arith.constant 7 : i32
        %add3A_350 = arith.addi %mul3A_348, %add3A_349 : i32
        %get3A_351 = arith.constant 0 : i32
        %get3A_352 = arith.index_cast %get3A_351 : i32 to index
        %get3A_353 = arith.index_cast %add3A_350 : i32 to index
        %get3A_354 = arith.constant 0 : index
        %get3A_355 = tpu.vector_load %arg6[%get3A_352, %get3A_353, %get3A_354] {strides = array<i32>} : memref<4x128x32xf32, #tpu.memory_space<vmem>>, vector<1x1x16xf32>,
        %get3A_356 = vector.shape_cast %get3A_355 : vector<1x1x16xf32> to vector<16xf32>
        %swap3A_357 = arith.index_cast %add3A_350 : i32 to index
        %swap3A_358 = arith.constant 0 : index
        %swap3A_359 = tpu.vector_load %arg7[%swap3A_357, %swap3A_358] {strides = array<i32>} : memref<128x32xf32, #tpu.memory_space<vmem>>, vector<1x16xf32>,
        %swap3A_360 = vector.shape_cast %swap3A_359 : vector<1x16xf32> to vector<16xf32>
        %swap3A_361 = vector.shape_cast %get3A_356 : vector<16xf32> to vector<1x16xf32>
        tpu.vector_store %arg7[%swap3A_357, %swap3A_358], %swap3A_361 {add = true, strides = array<i32>} : memref<128x32xf32, #tpu.memory_space<vmem>>, vector<1x16xf32>,
        %get3A_362 = arith.constant 0 : i32
        %get3A_363 = arith.index_cast %get3A_362 : i32 to index
        %get3A_364 = arith.index_cast %add3A_350 : i32 to index
        %get3A_365 = arith.constant 16 : index
        %get3A_366 = tpu.vector_load %arg6[%get3A_363, %get3A_364, %get3A_365] {strides = array<i32>} : memref<4x128x32xf32, #tpu.memory_space<vmem>>, vector<1x1x16xf32>,
        %get3A_367 = vector.shape_cast %get3A_366 : vector<1x1x16xf32> to vector<16xf32>
        %swap3A_368 = arith.index_cast %add3A_350 : i32 to index
        %swap3A_369 = arith.constant 16 : index
        %swap3A_370 = tpu.vector_load %arg7[%swap3A_368, %swap3A_369] {strides = array<i32>} : memref<128x32xf32, #tpu.memory_space<vmem>>, vector<1x16xf32>,
        %swap3A_371 = vector.shape_cast %swap3A_370 : vector<1x16xf32> to vector<16xf32>
        %swap3A_372 = vector.shape_cast %get3A_367 : vector<16xf32> to vector<1x16xf32>
        tpu.vector_store %arg7[%swap3A_368, %swap3A_369], %swap3A_372 {add = true, strides = array<i32>} : memref<128x32xf32, #tpu.memory_space<vmem>>, vector<1x16xf32>,
        %scan3A_373 = arith.constant 0 : i32
        scf.yield %scan3A_373 : i32
      }
      %scan3A_86 = arith.constant 16 : i32
      %lt3A = arith.constant 49 : i32
      %lt3A_87 = arith.cmpi slt, %scan3A_64, %lt3A : i32
      %convert_element_type3A = arith.extui %lt3A_87 : i1 to i32
      %cond3A = arith.constant 0 : i32
      %cond3A_88 = arith.cmpi ne, %convert_element_type3A, %cond3A : i32
      scf.if %cond3A_88 {
        %add3A_165 = arith.constant 4 : i32
        %add3A_166 = arith.addi %mul3A_67, %add3A_165 : i32
        %add3A_167 = arith.constant 0 : i32
        %add3A_168 = arith.addi %add3A_166, %add3A_167 : i32
        %dma_start3A_169 = arith.constant 0 : i32
        %dma_start3A_170 = arith.constant 0 : i32
        %dma_start3A_171 = arith.constant 0 : i32
        %dma_start3A_172 = tpu.memref_slice %arg6[%dma_start3A_169, %dma_start3A_170, %dma_start3A_171] : memref<4x128x32xf32, #tpu.memory_space<vmem>> -> memref<1x128x32xf32, #tpu.memory_space<vmem>>
        %dma_start3A_173 = tpu.memref_squeeze %dma_start3A_172 : memref<1x128x32xf32, #tpu.memory_space<vmem>> -> memref<128x32xf32, #tpu.memory_space<vmem>>
        %dma_start3A_174 = arith.constant 0 : i32
        %dma_start3A_175 = tpu.memref_slice %arg5[%add3A_168, %dma_start3A_174] : memref<200x128xi32, #tpu.memory_space<vmem>> -> memref<1x128xi32, #tpu.memory_space<vmem>>
        %dma_start3A_176 = tpu.memref_squeeze %dma_start3A_175 : memref<1x128xi32, #tpu.memory_space<vmem>> -> memref<128xi32, #tpu.memory_space<vmem>>
        %dma_start3A_177 = arith.constant 0 : i32
        %dma_start3A_178 = arith.constant 0 : i32
        %dma_start3A_179 = tpu.memref_slice %arg3[%dma_start3A_177, %dma_start3A_178] : memref<1015808x32xf32, #tpu.memory_space<hbm>> -> memref<1015808x32xf32, #tpu.memory_space<hbm>>
        tpu.enqueue_indirect_dma source(%dma_start3A_179 : memref<1015808x32xf32, #tpu.memory_space<hbm>>) target(%dma_start3A_173 : memref<128x32xf32, #tpu.memory_space<vmem>>) offsets(%dma_start3A_176 : memref<128xi32, #tpu.memory_space<vmem>>) semaphore(%arg8 : memref<!tpu.dma_semaphore, #tpu.memory_space<semaphore_mem>>)
      } else {
      }
      %add3A_89 = arith.constant 1 : i32
      %add3A_90 = arith.addi %mul3A_67, %add3A_89 : i32
      %dma_wait3A_91 = arith.constant 1 : i32
      %dma_wait3A_92 = arith.constant 0 : i32
      %dma_wait3A_93 = arith.constant 0 : i32
      %dma_wait3A_94 = tpu.memref_slice %arg6[%dma_wait3A_91, %dma_wait3A_92, %dma_wait3A_93] : memref<4x128x32xf32, #tpu.memory_space<vmem>> -> memref<1x128x32xf32, #tpu.memory_space<vmem>>
      %dma_wait3A_95 = tpu.memref_squeeze %dma_wait3A_94 : memref<1x128x32xf32, #tpu.memory_space<vmem>> -> memref<128x32xf32, #tpu.memory_space<vmem>>
      %dma_wait3A_96 = arith.constant 0 : i32
      %dma_wait3A_97 = tpu.memref_slice %arg5[%add3A_90, %dma_wait3A_96] : memref<200x128xi32, #tpu.memory_space<vmem>> -> memref<1x128xi32, #tpu.memory_space<vmem>>
      %dma_wait3A_98 = tpu.memref_squeeze %dma_wait3A_97 : memref<1x128xi32, #tpu.memory_space<vmem>> -> memref<128xi32, #tpu.memory_space<vmem>>
      %dma_wait3A_99 = arith.constant 0 : i32
      %dma_wait3A_100 = arith.constant 0 : i32
      %dma_wait3A_101 = tpu.memref_slice %arg3[%dma_wait3A_99, %dma_wait3A_100] : memref<1015808x32xf32, #tpu.memory_space<hbm>> -> memref<1015808x32xf32, #tpu.memory_space<hbm>>
      tpu.wait_indirect_dma semaphore(%arg9 : memref<!tpu.dma_semaphore, #tpu.memory_space<semaphore_mem>>) src(%dma_wait3A_101 : memref<1015808x32xf32, #tpu.memory_space<hbm>>) dst(%dma_wait3A_95 : memref<128x32xf32, #tpu.memory_space<vmem>>)
      %scan3A_102 = arith.constant 0 : i32
      %scan3A_103 = arith.constant 0 : i32
      %scan3A_104 = arith.constant 16 : i32
      %scan3A_105 = arith.addi %scan3A_103, %scan3A_104 : i32
      %scan3A_106 = arith.constant 1 : i32
      %scan3A_107 = scf.for %scan3A_165 = %scan3A_103 to %scan3A_105 step %scan3A_106 iter_args(%scan3A_166 = %scan3A_102) -> (i32)  : i32 {
        %mul3A_167 = arith.constant 8 : i32
        %mul3A_168 = arith.muli %scan3A_165, %mul3A_167 : i32
        %add3A_169 = arith.constant 0 : i32
        %add3A_170 = arith.addi %mul3A_168, %add3A_169 : i32
        %get3A = arith.constant 1 : i32
        %get3A_171 = arith.index_cast %get3A : i32 to index
        %get3A_172 = arith.index_cast %add3A_170 : i32 to index
        %get3A_173 = arith.constant 0 : index
        %get3A_174 = tpu.vector_load %arg6[%get3A_171, %get3A_172, %get3A_173] {strides = array<i32>} : memref<4x128x32xf32, #tpu.memory_space<vmem>>, vector<1x1x16xf32>,
        %get3A_175 = vector.shape_cast %get3A_174 : vector<1x1x16xf32> to vector<16xf32>
        %swap3A = arith.index_cast %add3A_170 : i32 to index
        %swap3A_176 = arith.constant 0 : index
        %swap3A_177 = tpu.vector_load %arg7[%swap3A, %swap3A_176] {strides = array<i32>} : memref<128x32xf32, #tpu.memory_space<vmem>>, vector<1x16xf32>,
        %swap3A_178 = vector.shape_cast %swap3A_177 : vector<1x16xf32> to vector<16xf32>
        %swap3A_179 = vector.shape_cast %get3A_175 : vector<16xf32> to vector<1x16xf32>
        tpu.vector_store %arg7[%swap3A, %swap3A_176], %swap3A_179 {add = true, strides = array<i32>} : memref<128x32xf32, #tpu.memory_space<vmem>>, vector<1x16xf32>,
        %get3A_180 = arith.constant 1 : i32
        %get3A_181 = arith.index_cast %get3A_180 : i32 to index
        %get3A_182 = arith.index_cast %add3A_170 : i32 to index
        %get3A_183 = arith.constant 16 : index
        %get3A_184 = tpu.vector_load %arg6[%get3A_181, %get3A_182, %get3A_183] {strides = array<i32>} : memref<4x128x32xf32, #tpu.memory_space<vmem>>, vector<1x1x16xf32>,
        %get3A_185 = vector.shape_cast %get3A_184 : vector<1x1x16xf32> to vector<16xf32>
        %swap3A_186 = arith.index_cast %add3A_170 : i32 to index
        %swap3A_187 = arith.constant 16 : index
        %swap3A_188 = tpu.vector_load %arg7[%swap3A_186, %swap3A_187] {strides = array<i32>} : memref<128x32xf32, #tpu.memory_space<vmem>>, vector<1x16xf32>,
        %swap3A_189 = vector.shape_cast %swap3A_188 : vector<1x16xf32> to vector<16xf32>
        %swap3A_190 = vector.shape_cast %get3A_185 : vector<16xf32> to vector<1x16xf32>
        tpu.vector_store %arg7[%swap3A_186, %swap3A_187], %swap3A_190 {add = true, strides = array<i32>} : memref<128x32xf32, #tpu.memory_space<vmem>>, vector<1x16xf32>,
        %mul3A_191 = arith.constant 8 : i32
        %mul3A_192 = arith.muli %scan3A_165, %mul3A_191 : i32
        %add3A_193 = arith.constant 1 : i32
        %add3A_194 = arith.addi %mul3A_192, %add3A_193 : i32
        %get3A_195 = arith.constant 1 : i32
        %get3A_196 = arith.index_cast %get3A_195 : i32 to index
        %get3A_197 = arith.index_cast %add3A_194 : i32 to index
        %get3A_198 = arith.constant 0 : index
        %get3A_199 = tpu.vector_load %arg6[%get3A_196, %get3A_197, %get3A_198] {strides = array<i32>} : memref<4x128x32xf32, #tpu.memory_space<vmem>>, vector<1x1x16xf32>,
        %get3A_200 = vector.shape_cast %get3A_199 : vector<1x1x16xf32> to vector<16xf32>
        %swap3A_201 = arith.index_cast %add3A_194 : i32 to index
        %swap3A_202 = arith.constant 0 : index
        %swap3A_203 = tpu.vector_load %arg7[%swap3A_201, %swap3A_202] {strides = array<i32>} : memref<128x32xf32, #tpu.memory_space<vmem>>, vector<1x16xf32>,
        %swap3A_204 = vector.shape_cast %swap3A_203 : vector<1x16xf32> to vector<16xf32>
        %swap3A_205 = vector.shape_cast %get3A_200 : vector<16xf32> to vector<1x16xf32>
        tpu.vector_store %arg7[%swap3A_201, %swap3A_202], %swap3A_205 {add = true, strides = array<i32>} : memref<128x32xf32, #tpu.memory_space<vmem>>, vector<1x16xf32>,
        %get3A_206 = arith.constant 1 : i32
        %get3A_207 = arith.index_cast %get3A_206 : i32 to index
        %get3A_208 = arith.index_cast %add3A_194 : i32 to index
        %get3A_209 = arith.constant 16 : index
        %get3A_210 = tpu.vector_load %arg6[%get3A_207, %get3A_208, %get3A_209] {strides = array<i32>} : memref<4x128x32xf32, #tpu.memory_space<vmem>>, vector<1x1x16xf32>,
        %get3A_211 = vector.shape_cast %get3A_210 : vector<1x1x16xf32> to vector<16xf32>
        %swap3A_212 = arith.index_cast %add3A_194 : i32 to index
        %swap3A_213 = arith.constant 16 : index
        %swap3A_214 = tpu.vector_load %arg7[%swap3A_212, %swap3A_213] {strides = array<i32>} : memref<128x32xf32, #tpu.memory_space<vmem>>, vector<1x16xf32>,
        %swap3A_215 = vector.shape_cast %swap3A_214 : vector<1x16xf32> to vector<16xf32>
        %swap3A_216 = vector.shape_cast %get3A_211 : vector<16xf32> to vector<1x16xf32>
        tpu.vector_store %arg7[%swap3A_212, %swap3A_213], %swap3A_216 {add = true, strides = array<i32>} : memref<128x32xf32, #tpu.memory_space<vmem>>, vector<1x16xf32>,
        %mul3A_217 = arith.constant 8 : i32
        %mul3A_218 = arith.muli %scan3A_165, %mul3A_217 : i32
        %add3A_219 = arith.constant 2 : i32
        %add3A_220 = arith.addi %mul3A_218, %add3A_219 : i32
        %get3A_221 = arith.constant 1 : i32
        %get3A_222 = arith.index_cast %get3A_221 : i32 to index
        %get3A_223 = arith.index_cast %add3A_220 : i32 to index
        %get3A_224 = arith.constant 0 : index
        %get3A_225 = tpu.vector_load %arg6[%get3A_222, %get3A_223, %get3A_224] {strides = array<i32>} : memref<4x128x32xf32, #tpu.memory_space<vmem>>, vector<1x1x16xf32>,
        %get3A_226 = vector.shape_cast %get3A_225 : vector<1x1x16xf32> to vector<16xf32>
        %swap3A_227 = arith.index_cast %add3A_220 : i32 to index
        %swap3A_228 = arith.constant 0 : index
        %swap3A_229 = tpu.vector_load %arg7[%swap3A_227, %swap3A_228] {strides = array<i32>} : memref<128x32xf32, #tpu.memory_space<vmem>>, vector<1x16xf32>,
        %swap3A_230 = vector.shape_cast %swap3A_229 : vector<1x16xf32> to vector<16xf32>
        %swap3A_231 = vector.shape_cast %get3A_226 : vector<16xf32> to vector<1x16xf32>
        tpu.vector_store %arg7[%swap3A_227, %swap3A_228], %swap3A_231 {add = true, strides = array<i32>} : memref<128x32xf32, #tpu.memory_space<vmem>>, vector<1x16xf32>,
        %get3A_232 = arith.constant 1 : i32
        %get3A_233 = arith.index_cast %get3A_232 : i32 to index
        %get3A_234 = arith.index_cast %add3A_220 : i32 to index
        %get3A_235 = arith.constant 16 : index
        %get3A_236 = tpu.vector_load %arg6[%get3A_233, %get3A_234, %get3A_235] {strides = array<i32>} : memref<4x128x32xf32, #tpu.memory_space<vmem>>, vector<1x1x16xf32>,
        %get3A_237 = vector.shape_cast %get3A_236 : vector<1x1x16xf32> to vector<16xf32>
        %swap3A_238 = arith.index_cast %add3A_220 : i32 to index
        %swap3A_239 = arith.constant 16 : index
        %swap3A_240 = tpu.vector_load %arg7[%swap3A_238, %swap3A_239] {strides = array<i32>} : memref<128x32xf32, #tpu.memory_space<vmem>>, vector<1x16xf32>,
        %swap3A_241 = vector.shape_cast %swap3A_240 : vector<1x16xf32> to vector<16xf32>
        %swap3A_242 = vector.shape_cast %get3A_237 : vector<16xf32> to vector<1x16xf32>
        tpu.vector_store %arg7[%swap3A_238, %swap3A_239], %swap3A_242 {add = true, strides = array<i32>} : memref<128x32xf32, #tpu.memory_space<vmem>>, vector<1x16xf32>,
        %mul3A_243 = arith.constant 8 : i32
        %mul3A_244 = arith.muli %scan3A_165, %mul3A_243 : i32
        %add3A_245 = arith.constant 3 : i32
        %add3A_246 = arith.addi %mul3A_244, %add3A_245 : i32
        %get3A_247 = arith.constant 1 : i32
        %get3A_248 = arith.index_cast %get3A_247 : i32 to index
        %get3A_249 = arith.index_cast %add3A_246 : i32 to index
        %get3A_250 = arith.constant 0 : index
        %get3A_251 = tpu.vector_load %arg6[%get3A_248, %get3A_249, %get3A_250] {strides = array<i32>} : memref<4x128x32xf32, #tpu.memory_space<vmem>>, vector<1x1x16xf32>,
        %get3A_252 = vector.shape_cast %get3A_251 : vector<1x1x16xf32> to vector<16xf32>
        %swap3A_253 = arith.index_cast %add3A_246 : i32 to index
        %swap3A_254 = arith.constant 0 : index
        %swap3A_255 = tpu.vector_load %arg7[%swap3A_253, %swap3A_254] {strides = array<i32>} : memref<128x32xf32, #tpu.memory_space<vmem>>, vector<1x16xf32>,
        %swap3A_256 = vector.shape_cast %swap3A_255 : vector<1x16xf32> to vector<16xf32>
        %swap3A_257 = vector.shape_cast %get3A_252 : vector<16xf32> to vector<1x16xf32>
        tpu.vector_store %arg7[%swap3A_253, %swap3A_254], %swap3A_257 {add = true, strides = array<i32>} : memref<128x32xf32, #tpu.memory_space<vmem>>, vector<1x16xf32>,
        %get3A_258 = arith.constant 1 : i32
        %get3A_259 = arith.index_cast %get3A_258 : i32 to index
        %get3A_260 = arith.index_cast %add3A_246 : i32 to index
        %get3A_261 = arith.constant 16 : index
        %get3A_262 = tpu.vector_load %arg6[%get3A_259, %get3A_260, %get3A_261] {strides = array<i32>} : memref<4x128x32xf32, #tpu.memory_space<vmem>>, vector<1x1x16xf32>,
        %get3A_263 = vector.shape_cast %get3A_262 : vector<1x1x16xf32> to vector<16xf32>
        %swap3A_264 = arith.index_cast %add3A_246 : i32 to index
        %swap3A_265 = arith.constant 16 : index
        %swap3A_266 = tpu.vector_load %arg7[%swap3A_264, %swap3A_265] {strides = array<i32>} : memref<128x32xf32, #tpu.memory_space<vmem>>, vector<1x16xf32>,
        %swap3A_267 = vector.shape_cast %swap3A_266 : vector<1x16xf32> to vector<16xf32>
        %swap3A_268 = vector.shape_cast %get3A_263 : vector<16xf32> to vector<1x16xf32>
        tpu.vector_store %arg7[%swap3A_264, %swap3A_265], %swap3A_268 {add = true, strides = array<i32>} : memref<128x32xf32, #tpu.memory_space<vmem>>, vector<1x16xf32>,
        %mul3A_269 = arith.constant 8 : i32
        %mul3A_270 = arith.muli %scan3A_165, %mul3A_269 : i32
        %add3A_271 = arith.constant 4 : i32
        %add3A_272 = arith.addi %mul3A_270, %add3A_271 : i32
        %get3A_273 = arith.constant 1 : i32
        %get3A_274 = arith.index_cast %get3A_273 : i32 to index
        %get3A_275 = arith.index_cast %add3A_272 : i32 to index
        %get3A_276 = arith.constant 0 : index
        %get3A_277 = tpu.vector_load %arg6[%get3A_274, %get3A_275, %get3A_276] {strides = array<i32>} : memref<4x128x32xf32, #tpu.memory_space<vmem>>, vector<1x1x16xf32>,
        %get3A_278 = vector.shape_cast %get3A_277 : vector<1x1x16xf32> to vector<16xf32>
        %swap3A_279 = arith.index_cast %add3A_272 : i32 to index
        %swap3A_280 = arith.constant 0 : index
        %swap3A_281 = tpu.vector_load %arg7[%swap3A_279, %swap3A_280] {strides = array<i32>} : memref<128x32xf32, #tpu.memory_space<vmem>>, vector<1x16xf32>,
        %swap3A_282 = vector.shape_cast %swap3A_281 : vector<1x16xf32> to vector<16xf32>
        %swap3A_283 = vector.shape_cast %get3A_278 : vector<16xf32> to vector<1x16xf32>
        tpu.vector_store %arg7[%swap3A_279, %swap3A_280], %swap3A_283 {add = true, strides = array<i32>} : memref<128x32xf32, #tpu.memory_space<vmem>>, vector<1x16xf32>,
        %get3A_284 = arith.constant 1 : i32
        %get3A_285 = arith.index_cast %get3A_284 : i32 to index
        %get3A_286 = arith.index_cast %add3A_272 : i32 to index
        %get3A_287 = arith.constant 16 : index
        %get3A_288 = tpu.vector_load %arg6[%get3A_285, %get3A_286, %get3A_287] {strides = array<i32>} : memref<4x128x32xf32, #tpu.memory_space<vmem>>, vector<1x1x16xf32>,
        %get3A_289 = vector.shape_cast %get3A_288 : vector<1x1x16xf32> to vector<16xf32>
        %swap3A_290 = arith.index_cast %add3A_272 : i32 to index
        %swap3A_291 = arith.constant 16 : index
        %swap3A_292 = tpu.vector_load %arg7[%swap3A_290, %swap3A_291] {strides = array<i32>} : memref<128x32xf32, #tpu.memory_space<vmem>>, vector<1x16xf32>,
        %swap3A_293 = vector.shape_cast %swap3A_292 : vector<1x16xf32> to vector<16xf32>
        %swap3A_294 = vector.shape_cast %get3A_289 : vector<16xf32> to vector<1x16xf32>
        tpu.vector_store %arg7[%swap3A_290, %swap3A_291], %swap3A_294 {add = true, strides = array<i32>} : memref<128x32xf32, #tpu.memory_space<vmem>>, vector<1x16xf32>,
        %mul3A_295 = arith.constant 8 : i32
        %mul3A_296 = arith.muli %scan3A_165, %mul3A_295 : i32
        %add3A_297 = arith.constant 5 : i32
        %add3A_298 = arith.addi %mul3A_296, %add3A_297 : i32
        %get3A_299 = arith.constant 1 : i32
        %get3A_300 = arith.index_cast %get3A_299 : i32 to index
        %get3A_301 = arith.index_cast %add3A_298 : i32 to index
        %get3A_302 = arith.constant 0 : index
        %get3A_303 = tpu.vector_load %arg6[%get3A_300, %get3A_301, %get3A_302] {strides = array<i32>} : memref<4x128x32xf32, #tpu.memory_space<vmem>>, vector<1x1x16xf32>,
        %get3A_304 = vector.shape_cast %get3A_303 : vector<1x1x16xf32> to vector<16xf32>
        %swap3A_305 = arith.index_cast %add3A_298 : i32 to index
        %swap3A_306 = arith.constant 0 : index
        %swap3A_307 = tpu.vector_load %arg7[%swap3A_305, %swap3A_306] {strides = array<i32>} : memref<128x32xf32, #tpu.memory_space<vmem>>, vector<1x16xf32>,
        %swap3A_308 = vector.shape_cast %swap3A_307 : vector<1x16xf32> to vector<16xf32>
        %swap3A_309 = vector.shape_cast %get3A_304 : vector<16xf32> to vector<1x16xf32>
        tpu.vector_store %arg7[%swap3A_305, %swap3A_306], %swap3A_309 {add = true, strides = array<i32>} : memref<128x32xf32, #tpu.memory_space<vmem>>, vector<1x16xf32>,
        %get3A_310 = arith.constant 1 : i32
        %get3A_311 = arith.index_cast %get3A_310 : i32 to index
        %get3A_312 = arith.index_cast %add3A_298 : i32 to index
        %get3A_313 = arith.constant 16 : index
        %get3A_314 = tpu.vector_load %arg6[%get3A_311, %get3A_312, %get3A_313] {strides = array<i32>} : memref<4x128x32xf32, #tpu.memory_space<vmem>>, vector<1x1x16xf32>,
        %get3A_315 = vector.shape_cast %get3A_314 : vector<1x1x16xf32> to vector<16xf32>
        %swap3A_316 = arith.index_cast %add3A_298 : i32 to index
        %swap3A_317 = arith.constant 16 : index
        %swap3A_318 = tpu.vector_load %arg7[%swap3A_316, %swap3A_317] {strides = array<i32>} : memref<128x32xf32, #tpu.memory_space<vmem>>, vector<1x16xf32>,
        %swap3A_319 = vector.shape_cast %swap3A_318 : vector<1x16xf32> to vector<16xf32>
        %swap3A_320 = vector.shape_cast %get3A_315 : vector<16xf32> to vector<1x16xf32>
        tpu.vector_store %arg7[%swap3A_316, %swap3A_317], %swap3A_320 {add = true, strides = array<i32>} : memref<128x32xf32, #tpu.memory_space<vmem>>, vector<1x16xf32>,
        %mul3A_321 = arith.constant 8 : i32
        %mul3A_322 = arith.muli %scan3A_165, %mul3A_321 : i32
        %add3A_323 = arith.constant 6 : i32
        %add3A_324 = arith.addi %mul3A_322, %add3A_323 : i32
        %get3A_325 = arith.constant 1 : i32
        %get3A_326 = arith.index_cast %get3A_325 : i32 to index
        %get3A_327 = arith.index_cast %add3A_324 : i32 to index
        %get3A_328 = arith.constant 0 : index
        %get3A_329 = tpu.vector_load %arg6[%get3A_326, %get3A_327, %get3A_328] {strides = array<i32>} : memref<4x128x32xf32, #tpu.memory_space<vmem>>, vector<1x1x16xf32>,
        %get3A_330 = vector.shape_cast %get3A_329 : vector<1x1x16xf32> to vector<16xf32>
        %swap3A_331 = arith.index_cast %add3A_324 : i32 to index
        %swap3A_332 = arith.constant 0 : index
        %swap3A_333 = tpu.vector_load %arg7[%swap3A_331, %swap3A_332] {strides = array<i32>} : memref<128x32xf32, #tpu.memory_space<vmem>>, vector<1x16xf32>,
        %swap3A_334 = vector.shape_cast %swap3A_333 : vector<1x16xf32> to vector<16xf32>
        %swap3A_335 = vector.shape_cast %get3A_330 : vector<16xf32> to vector<1x16xf32>
        tpu.vector_store %arg7[%swap3A_331, %swap3A_332], %swap3A_335 {add = true, strides = array<i32>} : memref<128x32xf32, #tpu.memory_space<vmem>>, vector<1x16xf32>,
        %get3A_336 = arith.constant 1 : i32
        %get3A_337 = arith.index_cast %get3A_336 : i32 to index
        %get3A_338 = arith.index_cast %add3A_324 : i32 to index
        %get3A_339 = arith.constant 16 : index
        %get3A_340 = tpu.vector_load %arg6[%get3A_337, %get3A_338, %get3A_339] {strides = array<i32>} : memref<4x128x32xf32, #tpu.memory_space<vmem>>, vector<1x1x16xf32>,
        %get3A_341 = vector.shape_cast %get3A_340 : vector<1x1x16xf32> to vector<16xf32>
        %swap3A_342 = arith.index_cast %add3A_324 : i32 to index
        %swap3A_343 = arith.constant 16 : index
        %swap3A_344 = tpu.vector_load %arg7[%swap3A_342, %swap3A_343] {strides = array<i32>} : memref<128x32xf32, #tpu.memory_space<vmem>>, vector<1x16xf32>,
        %swap3A_345 = vector.shape_cast %swap3A_344 : vector<1x16xf32> to vector<16xf32>
        %swap3A_346 = vector.shape_cast %get3A_341 : vector<16xf32> to vector<1x16xf32>
        tpu.vector_store %arg7[%swap3A_342, %swap3A_343], %swap3A_346 {add = true, strides = array<i32>} : memref<128x32xf32, #tpu.memory_space<vmem>>, vector<1x16xf32>,
        %mul3A_347 = arith.constant 8 : i32
        %mul3A_348 = arith.muli %scan3A_165, %mul3A_347 : i32
        %add3A_349 = arith.constant 7 : i32
        %add3A_350 = arith.addi %mul3A_348, %add3A_349 : i32
        %get3A_351 = arith.constant 1 : i32
        %get3A_352 = arith.index_cast %get3A_351 : i32 to index
        %get3A_353 = arith.index_cast %add3A_350 : i32 to index
        %get3A_354 = arith.constant 0 : index
        %get3A_355 = tpu.vector_load %arg6[%get3A_352, %get3A_353, %get3A_354] {strides = array<i32>} : memref<4x128x32xf32, #tpu.memory_space<vmem>>, vector<1x1x16xf32>,
        %get3A_356 = vector.shape_cast %get3A_355 : vector<1x1x16xf32> to vector<16xf32>
        %swap3A_357 = arith.index_cast %add3A_350 : i32 to index
        %swap3A_358 = arith.constant 0 : index
        %swap3A_359 = tpu.vector_load %arg7[%swap3A_357, %swap3A_358] {strides = array<i32>} : memref<128x32xf32, #tpu.memory_space<vmem>>, vector<1x16xf32>,
        %swap3A_360 = vector.shape_cast %swap3A_359 : vector<1x16xf32> to vector<16xf32>
        %swap3A_361 = vector.shape_cast %get3A_356 : vector<16xf32> to vector<1x16xf32>
        tpu.vector_store %arg7[%swap3A_357, %swap3A_358], %swap3A_361 {add = true, strides = array<i32>} : memref<128x32xf32, #tpu.memory_space<vmem>>, vector<1x16xf32>,
        %get3A_362 = arith.constant 1 : i32
        %get3A_363 = arith.index_cast %get3A_362 : i32 to index
        %get3A_364 = arith.index_cast %add3A_350 : i32 to index
        %get3A_365 = arith.constant 16 : index
        %get3A_366 = tpu.vector_load %arg6[%get3A_363, %get3A_364, %get3A_365] {strides = array<i32>} : memref<4x128x32xf32, #tpu.memory_space<vmem>>, vector<1x1x16xf32>,
        %get3A_367 = vector.shape_cast %get3A_366 : vector<1x1x16xf32> to vector<16xf32>
        %swap3A_368 = arith.index_cast %add3A_350 : i32 to index
        %swap3A_369 = arith.constant 16 : index
        %swap3A_370 = tpu.vector_load %arg7[%swap3A_368, %swap3A_369] {strides = array<i32>} : memref<128x32xf32, #tpu.memory_space<vmem>>, vector<1x16xf32>,
        %swap3A_371 = vector.shape_cast %swap3A_370 : vector<1x16xf32> to vector<16xf32>
        %swap3A_372 = vector.shape_cast %get3A_367 : vector<16xf32> to vector<1x16xf32>
        tpu.vector_store %arg7[%swap3A_368, %swap3A_369], %swap3A_372 {add = true, strides = array<i32>} : memref<128x32xf32, #tpu.memory_space<vmem>>, vector<1x16xf32>,
        %scan3A_373 = arith.constant 0 : i32
        scf.yield %scan3A_373 : i32
      }
      %scan3A_108 = arith.constant 16 : i32
      %lt3A_109 = arith.constant 49 : i32
      %lt3A_110 = arith.cmpi slt, %scan3A_64, %lt3A_109 : i32
      %convert_element_type3A_111 = arith.extui %lt3A_110 : i1 to i32
      %cond3A_112 = arith.constant 0 : i32
      %cond3A_113 = arith.cmpi ne, %convert_element_type3A_111, %cond3A_112 : i32
      scf.if %cond3A_113 {
        %add3A_165 = arith.constant 4 : i32
        %add3A_166 = arith.addi %mul3A_67, %add3A_165 : i32
        %add3A_167 = arith.constant 1 : i32
        %add3A_168 = arith.addi %add3A_166, %add3A_167 : i32
        %dma_start3A_169 = arith.constant 1 : i32
        %dma_start3A_170 = arith.constant 0 : i32
        %dma_start3A_171 = arith.constant 0 : i32
        %dma_start3A_172 = tpu.memref_slice %arg6[%dma_start3A_169, %dma_start3A_170, %dma_start3A_171] : memref<4x128x32xf32, #tpu.memory_space<vmem>> -> memref<1x128x32xf32, #tpu.memory_space<vmem>>
        %dma_start3A_173 = tpu.memref_squeeze %dma_start3A_172 : memref<1x128x32xf32, #tpu.memory_space<vmem>> -> memref<128x32xf32, #tpu.memory_space<vmem>>
        %dma_start3A_174 = arith.constant 0 : i32
        %dma_start3A_175 = tpu.memref_slice %arg5[%add3A_168, %dma_start3A_174] : memref<200x128xi32, #tpu.memory_space<vmem>> -> memref<1x128xi32, #tpu.memory_space<vmem>>
        %dma_start3A_176 = tpu.memref_squeeze %dma_start3A_175 : memref<1x128xi32, #tpu.memory_space<vmem>> -> memref<128xi32, #tpu.memory_space<vmem>>
        %dma_start3A_177 = arith.constant 0 : i32
        %dma_start3A_178 = arith.constant 0 : i32
        %dma_start3A_179 = tpu.memref_slice %arg3[%dma_start3A_177, %dma_start3A_178] : memref<1015808x32xf32, #tpu.memory_space<hbm>> -> memref<1015808x32xf32, #tpu.memory_space<hbm>>
        tpu.enqueue_indirect_dma source(%dma_start3A_179 : memref<1015808x32xf32, #tpu.memory_space<hbm>>) target(%dma_start3A_173 : memref<128x32xf32, #tpu.memory_space<vmem>>) offsets(%dma_start3A_176 : memref<128xi32, #tpu.memory_space<vmem>>) semaphore(%arg9 : memref<!tpu.dma_semaphore, #tpu.memory_space<semaphore_mem>>)
      } else {
      }
      %add3A_114 = arith.constant 2 : i32
      %add3A_115 = arith.addi %mul3A_67, %add3A_114 : i32
      %dma_wait3A_116 = arith.constant 2 : i32
      %dma_wait3A_117 = arith.constant 0 : i32
      %dma_wait3A_118 = arith.constant 0 : i32
      %dma_wait3A_119 = tpu.memref_slice %arg6[%dma_wait3A_116, %dma_wait3A_117, %dma_wait3A_118] : memref<4x128x32xf32, #tpu.memory_space<vmem>> -> memref<1x128x32xf32, #tpu.memory_space<vmem>>
      %dma_wait3A_120 = tpu.memref_squeeze %dma_wait3A_119 : memref<1x128x32xf32, #tpu.memory_space<vmem>> -> memref<128x32xf32, #tpu.memory_space<vmem>>
      %dma_wait3A_121 = arith.constant 0 : i32
      %dma_wait3A_122 = tpu.memref_slice %arg5[%add3A_115, %dma_wait3A_121] : memref<200x128xi32, #tpu.memory_space<vmem>> -> memref<1x128xi32, #tpu.memory_space<vmem>>
      %dma_wait3A_123 = tpu.memref_squeeze %dma_wait3A_122 : memref<1x128xi32, #tpu.memory_space<vmem>> -> memref<128xi32, #tpu.memory_space<vmem>>
      %dma_wait3A_124 = arith.constant 0 : i32
      %dma_wait3A_125 = arith.constant 0 : i32
      %dma_wait3A_126 = tpu.memref_slice %arg3[%dma_wait3A_124, %dma_wait3A_125] : memref<1015808x32xf32, #tpu.memory_space<hbm>> -> memref<1015808x32xf32, #tpu.memory_space<hbm>>
      tpu.wait_indirect_dma semaphore(%arg10 : memref<!tpu.dma_semaphore, #tpu.memory_space<semaphore_mem>>) src(%dma_wait3A_126 : memref<1015808x32xf32, #tpu.memory_space<hbm>>) dst(%dma_wait3A_120 : memref<128x32xf32, #tpu.memory_space<vmem>>)
      %scan3A_127 = arith.constant 0 : i32
      %scan3A_128 = arith.constant 0 : i32
      %scan3A_129 = arith.constant 16 : i32
      %scan3A_130 = arith.addi %scan3A_128, %scan3A_129 : i32
      %scan3A_131 = arith.constant 1 : i32
      %scan3A_132 = scf.for %scan3A_165 = %scan3A_128 to %scan3A_130 step %scan3A_131 iter_args(%scan3A_166 = %scan3A_127) -> (i32)  : i32 {
        %mul3A_167 = arith.constant 8 : i32
        %mul3A_168 = arith.muli %scan3A_165, %mul3A_167 : i32
        %add3A_169 = arith.constant 0 : i32
        %add3A_170 = arith.addi %mul3A_168, %add3A_169 : i32
        %get3A = arith.constant 2 : i32
        %get3A_171 = arith.index_cast %get3A : i32 to index
        %get3A_172 = arith.index_cast %add3A_170 : i32 to index
        %get3A_173 = arith.constant 0 : index
        %get3A_174 = tpu.vector_load %arg6[%get3A_171, %get3A_172, %get3A_173] {strides = array<i32>} : memref<4x128x32xf32, #tpu.memory_space<vmem>>, vector<1x1x16xf32>,
        %get3A_175 = vector.shape_cast %get3A_174 : vector<1x1x16xf32> to vector<16xf32>
        %swap3A = arith.index_cast %add3A_170 : i32 to index
        %swap3A_176 = arith.constant 0 : index
        %swap3A_177 = tpu.vector_load %arg7[%swap3A, %swap3A_176] {strides = array<i32>} : memref<128x32xf32, #tpu.memory_space<vmem>>, vector<1x16xf32>,
        %swap3A_178 = vector.shape_cast %swap3A_177 : vector<1x16xf32> to vector<16xf32>
        %swap3A_179 = vector.shape_cast %get3A_175 : vector<16xf32> to vector<1x16xf32>
        tpu.vector_store %arg7[%swap3A, %swap3A_176], %swap3A_179 {add = true, strides = array<i32>} : memref<128x32xf32, #tpu.memory_space<vmem>>, vector<1x16xf32>,
        %get3A_180 = arith.constant 2 : i32
        %get3A_181 = arith.index_cast %get3A_180 : i32 to index
        %get3A_182 = arith.index_cast %add3A_170 : i32 to index
        %get3A_183 = arith.constant 16 : index
        %get3A_184 = tpu.vector_load %arg6[%get3A_181, %get3A_182, %get3A_183] {strides = array<i32>} : memref<4x128x32xf32, #tpu.memory_space<vmem>>, vector<1x1x16xf32>,
        %get3A_185 = vector.shape_cast %get3A_184 : vector<1x1x16xf32> to vector<16xf32>
        %swap3A_186 = arith.index_cast %add3A_170 : i32 to index
        %swap3A_187 = arith.constant 16 : index
        %swap3A_188 = tpu.vector_load %arg7[%swap3A_186, %swap3A_187] {strides = array<i32>} : memref<128x32xf32, #tpu.memory_space<vmem>>, vector<1x16xf32>,
        %swap3A_189 = vector.shape_cast %swap3A_188 : vector<1x16xf32> to vector<16xf32>
        %swap3A_190 = vector.shape_cast %get3A_185 : vector<16xf32> to vector<1x16xf32>
        tpu.vector_store %arg7[%swap3A_186, %swap3A_187], %swap3A_190 {add = true, strides = array<i32>} : memref<128x32xf32, #tpu.memory_space<vmem>>, vector<1x16xf32>,
        %mul3A_191 = arith.constant 8 : i32
        %mul3A_192 = arith.muli %scan3A_165, %mul3A_191 : i32
        %add3A_193 = arith.constant 1 : i32
        %add3A_194 = arith.addi %mul3A_192, %add3A_193 : i32
        %get3A_195 = arith.constant 2 : i32
        %get3A_196 = arith.index_cast %get3A_195 : i32 to index
        %get3A_197 = arith.index_cast %add3A_194 : i32 to index
        %get3A_198 = arith.constant 0 : index
        %get3A_199 = tpu.vector_load %arg6[%get3A_196, %get3A_197, %get3A_198] {strides = array<i32>} : memref<4x128x32xf32, #tpu.memory_space<vmem>>, vector<1x1x16xf32>,
        %get3A_200 = vector.shape_cast %get3A_199 : vector<1x1x16xf32> to vector<16xf32>
        %swap3A_201 = arith.index_cast %add3A_194 : i32 to index
        %swap3A_202 = arith.constant 0 : index
        %swap3A_203 = tpu.vector_load %arg7[%swap3A_201, %swap3A_202] {strides = array<i32>} : memref<128x32xf32, #tpu.memory_space<vmem>>, vector<1x16xf32>,
        %swap3A_204 = vector.shape_cast %swap3A_203 : vector<1x16xf32> to vector<16xf32>
        %swap3A_205 = vector.shape_cast %get3A_200 : vector<16xf32> to vector<1x16xf32>
        tpu.vector_store %arg7[%swap3A_201, %swap3A_202], %swap3A_205 {add = true, strides = array<i32>} : memref<128x32xf32, #tpu.memory_space<vmem>>, vector<1x16xf32>,
        %get3A_206 = arith.constant 2 : i32
        %get3A_207 = arith.index_cast %get3A_206 : i32 to index
        %get3A_208 = arith.index_cast %add3A_194 : i32 to index
        %get3A_209 = arith.constant 16 : index
        %get3A_210 = tpu.vector_load %arg6[%get3A_207, %get3A_208, %get3A_209] {strides = array<i32>} : memref<4x128x32xf32, #tpu.memory_space<vmem>>, vector<1x1x16xf32>,
        %get3A_211 = vector.shape_cast %get3A_210 : vector<1x1x16xf32> to vector<16xf32>
        %swap3A_212 = arith.index_cast %add3A_194 : i32 to index
        %swap3A_213 = arith.constant 16 : index
        %swap3A_214 = tpu.vector_load %arg7[%swap3A_212, %swap3A_213] {strides = array<i32>} : memref<128x32xf32, #tpu.memory_space<vmem>>, vector<1x16xf32>,
        %swap3A_215 = vector.shape_cast %swap3A_214 : vector<1x16xf32> to vector<16xf32>
        %swap3A_216 = vector.shape_cast %get3A_211 : vector<16xf32> to vector<1x16xf32>
        tpu.vector_store %arg7[%swap3A_212, %swap3A_213], %swap3A_216 {add = true, strides = array<i32>} : memref<128x32xf32, #tpu.memory_space<vmem>>, vector<1x16xf32>,
        %mul3A_217 = arith.constant 8 : i32
        %mul3A_218 = arith.muli %scan3A_165, %mul3A_217 : i32
        %add3A_219 = arith.constant 2 : i32
        %add3A_220 = arith.addi %mul3A_218, %add3A_219 : i32
        %get3A_221 = arith.constant 2 : i32
        %get3A_222 = arith.index_cast %get3A_221 : i32 to index
        %get3A_223 = arith.index_cast %add3A_220 : i32 to index
        %get3A_224 = arith.constant 0 : index
        %get3A_225 = tpu.vector_load %arg6[%get3A_222, %get3A_223, %get3A_224] {strides = array<i32>} : memref<4x128x32xf32, #tpu.memory_space<vmem>>, vector<1x1x16xf32>,
        %get3A_226 = vector.shape_cast %get3A_225 : vector<1x1x16xf32> to vector<16xf32>
        %swap3A_227 = arith.index_cast %add3A_220 : i32 to index
        %swap3A_228 = arith.constant 0 : index
        %swap3A_229 = tpu.vector_load %arg7[%swap3A_227, %swap3A_228] {strides = array<i32>} : memref<128x32xf32, #tpu.memory_space<vmem>>, vector<1x16xf32>,
        %swap3A_230 = vector.shape_cast %swap3A_229 : vector<1x16xf32> to vector<16xf32>
        %swap3A_231 = vector.shape_cast %get3A_226 : vector<16xf32> to vector<1x16xf32>
        tpu.vector_store %arg7[%swap3A_227, %swap3A_228], %swap3A_231 {add = true, strides = array<i32>} : memref<128x32xf32, #tpu.memory_space<vmem>>, vector<1x16xf32>,
        %get3A_232 = arith.constant 2 : i32
        %get3A_233 = arith.index_cast %get3A_232 : i32 to index
        %get3A_234 = arith.index_cast %add3A_220 : i32 to index
        %get3A_235 = arith.constant 16 : index
        %get3A_236 = tpu.vector_load %arg6[%get3A_233, %get3A_234, %get3A_235] {strides = array<i32>} : memref<4x128x32xf32, #tpu.memory_space<vmem>>, vector<1x1x16xf32>,
        %get3A_237 = vector.shape_cast %get3A_236 : vector<1x1x16xf32> to vector<16xf32>
        %swap3A_238 = arith.index_cast %add3A_220 : i32 to index
        %swap3A_239 = arith.constant 16 : index
        %swap3A_240 = tpu.vector_load %arg7[%swap3A_238, %swap3A_239] {strides = array<i32>} : memref<128x32xf32, #tpu.memory_space<vmem>>, vector<1x16xf32>,
        %swap3A_241 = vector.shape_cast %swap3A_240 : vector<1x16xf32> to vector<16xf32>
        %swap3A_242 = vector.shape_cast %get3A_237 : vector<16xf32> to vector<1x16xf32>
        tpu.vector_store %arg7[%swap3A_238, %swap3A_239], %swap3A_242 {add = true, strides = array<i32>} : memref<128x32xf32, #tpu.memory_space<vmem>>, vector<1x16xf32>,
        %mul3A_243 = arith.constant 8 : i32
        %mul3A_244 = arith.muli %scan3A_165, %mul3A_243 : i32
        %add3A_245 = arith.constant 3 : i32
        %add3A_246 = arith.addi %mul3A_244, %add3A_245 : i32
        %get3A_247 = arith.constant 2 : i32
        %get3A_248 = arith.index_cast %get3A_247 : i32 to index
        %get3A_249 = arith.index_cast %add3A_246 : i32 to index
        %get3A_250 = arith.constant 0 : index
        %get3A_251 = tpu.vector_load %arg6[%get3A_248, %get3A_249, %get3A_250] {strides = array<i32>} : memref<4x128x32xf32, #tpu.memory_space<vmem>>, vector<1x1x16xf32>,
        %get3A_252 = vector.shape_cast %get3A_251 : vector<1x1x16xf32> to vector<16xf32>
        %swap3A_253 = arith.index_cast %add3A_246 : i32 to index
        %swap3A_254 = arith.constant 0 : index
        %swap3A_255 = tpu.vector_load %arg7[%swap3A_253, %swap3A_254] {strides = array<i32>} : memref<128x32xf32, #tpu.memory_space<vmem>>, vector<1x16xf32>,
        %swap3A_256 = vector.shape_cast %swap3A_255 : vector<1x16xf32> to vector<16xf32>
        %swap3A_257 = vector.shape_cast %get3A_252 : vector<16xf32> to vector<1x16xf32>
        tpu.vector_store %arg7[%swap3A_253, %swap3A_254], %swap3A_257 {add = true, strides = array<i32>} : memref<128x32xf32, #tpu.memory_space<vmem>>, vector<1x16xf32>,
        %get3A_258 = arith.constant 2 : i32
        %get3A_259 = arith.index_cast %get3A_258 : i32 to index
        %get3A_260 = arith.index_cast %add3A_246 : i32 to index
        %get3A_261 = arith.constant 16 : index
        %get3A_262 = tpu.vector_load %arg6[%get3A_259, %get3A_260, %get3A_261] {strides = array<i32>} : memref<4x128x32xf32, #tpu.memory_space<vmem>>, vector<1x1x16xf32>,
        %get3A_263 = vector.shape_cast %get3A_262 : vector<1x1x16xf32> to vector<16xf32>
        %swap3A_264 = arith.index_cast %add3A_246 : i32 to index
        %swap3A_265 = arith.constant 16 : index
        %swap3A_266 = tpu.vector_load %arg7[%swap3A_264, %swap3A_265] {strides = array<i32>} : memref<128x32xf32, #tpu.memory_space<vmem>>, vector<1x16xf32>,
        %swap3A_267 = vector.shape_cast %swap3A_266 : vector<1x16xf32> to vector<16xf32>
        %swap3A_268 = vector.shape_cast %get3A_263 : vector<16xf32> to vector<1x16xf32>
        tpu.vector_store %arg7[%swap3A_264, %swap3A_265], %swap3A_268 {add = true, strides = array<i32>} : memref<128x32xf32, #tpu.memory_space<vmem>>, vector<1x16xf32>,
        %mul3A_269 = arith.constant 8 : i32
        %mul3A_270 = arith.muli %scan3A_165, %mul3A_269 : i32
        %add3A_271 = arith.constant 4 : i32
        %add3A_272 = arith.addi %mul3A_270, %add3A_271 : i32
        %get3A_273 = arith.constant 2 : i32
        %get3A_274 = arith.index_cast %get3A_273 : i32 to index
        %get3A_275 = arith.index_cast %add3A_272 : i32 to index
        %get3A_276 = arith.constant 0 : index
        %get3A_277 = tpu.vector_load %arg6[%get3A_274, %get3A_275, %get3A_276] {strides = array<i32>} : memref<4x128x32xf32, #tpu.memory_space<vmem>>, vector<1x1x16xf32>,
        %get3A_278 = vector.shape_cast %get3A_277 : vector<1x1x16xf32> to vector<16xf32>
        %swap3A_279 = arith.index_cast %add3A_272 : i32 to index
        %swap3A_280 = arith.constant 0 : index
        %swap3A_281 = tpu.vector_load %arg7[%swap3A_279, %swap3A_280] {strides = array<i32>} : memref<128x32xf32, #tpu.memory_space<vmem>>, vector<1x16xf32>,
        %swap3A_282 = vector.shape_cast %swap3A_281 : vector<1x16xf32> to vector<16xf32>
        %swap3A_283 = vector.shape_cast %get3A_278 : vector<16xf32> to vector<1x16xf32>
        tpu.vector_store %arg7[%swap3A_279, %swap3A_280], %swap3A_283 {add = true, strides = array<i32>} : memref<128x32xf32, #tpu.memory_space<vmem>>, vector<1x16xf32>,
        %get3A_284 = arith.constant 2 : i32
        %get3A_285 = arith.index_cast %get3A_284 : i32 to index
        %get3A_286 = arith.index_cast %add3A_272 : i32 to index
        %get3A_287 = arith.constant 16 : index
        %get3A_288 = tpu.vector_load %arg6[%get3A_285, %get3A_286, %get3A_287] {strides = array<i32>} : memref<4x128x32xf32, #tpu.memory_space<vmem>>, vector<1x1x16xf32>,
        %get3A_289 = vector.shape_cast %get3A_288 : vector<1x1x16xf32> to vector<16xf32>
        %swap3A_290 = arith.index_cast %add3A_272 : i32 to index
        %swap3A_291 = arith.constant 16 : index
        %swap3A_292 = tpu.vector_load %arg7[%swap3A_290, %swap3A_291] {strides = array<i32>} : memref<128x32xf32, #tpu.memory_space<vmem>>, vector<1x16xf32>,
        %swap3A_293 = vector.shape_cast %swap3A_292 : vector<1x16xf32> to vector<16xf32>
        %swap3A_294 = vector.shape_cast %get3A_289 : vector<16xf32> to vector<1x16xf32>
        tpu.vector_store %arg7[%swap3A_290, %swap3A_291], %swap3A_294 {add = true, strides = array<i32>} : memref<128x32xf32, #tpu.memory_space<vmem>>, vector<1x16xf32>,
        %mul3A_295 = arith.constant 8 : i32
        %mul3A_296 = arith.muli %scan3A_165, %mul3A_295 : i32
        %add3A_297 = arith.constant 5 : i32
        %add3A_298 = arith.addi %mul3A_296, %add3A_297 : i32
        %get3A_299 = arith.constant 2 : i32
        %get3A_300 = arith.index_cast %get3A_299 : i32 to index
        %get3A_301 = arith.index_cast %add3A_298 : i32 to index
        %get3A_302 = arith.constant 0 : index
        %get3A_303 = tpu.vector_load %arg6[%get3A_300, %get3A_301, %get3A_302] {strides = array<i32>} : memref<4x128x32xf32, #tpu.memory_space<vmem>>, vector<1x1x16xf32>,
        %get3A_304 = vector.shape_cast %get3A_303 : vector<1x1x16xf32> to vector<16xf32>
        %swap3A_305 = arith.index_cast %add3A_298 : i32 to index
        %swap3A_306 = arith.constant 0 : index
        %swap3A_307 = tpu.vector_load %arg7[%swap3A_305, %swap3A_306] {strides = array<i32>} : memref<128x32xf32, #tpu.memory_space<vmem>>, vector<1x16xf32>,
        %swap3A_308 = vector.shape_cast %swap3A_307 : vector<1x16xf32> to vector<16xf32>
        %swap3A_309 = vector.shape_cast %get3A_304 : vector<16xf32> to vector<1x16xf32>
        tpu.vector_store %arg7[%swap3A_305, %swap3A_306], %swap3A_309 {add = true, strides = array<i32>} : memref<128x32xf32, #tpu.memory_space<vmem>>, vector<1x16xf32>,
        %get3A_310 = arith.constant 2 : i32
        %get3A_311 = arith.index_cast %get3A_310 : i32 to index
        %get3A_312 = arith.index_cast %add3A_298 : i32 to index
        %get3A_313 = arith.constant 16 : index
        %get3A_314 = tpu.vector_load %arg6[%get3A_311, %get3A_312, %get3A_313] {strides = array<i32>} : memref<4x128x32xf32, #tpu.memory_space<vmem>>, vector<1x1x16xf32>,
        %get3A_315 = vector.shape_cast %get3A_314 : vector<1x1x16xf32> to vector<16xf32>
        %swap3A_316 = arith.index_cast %add3A_298 : i32 to index
        %swap3A_317 = arith.constant 16 : index
        %swap3A_318 = tpu.vector_load %arg7[%swap3A_316, %swap3A_317] {strides = array<i32>} : memref<128x32xf32, #tpu.memory_space<vmem>>, vector<1x16xf32>,
        %swap3A_319 = vector.shape_cast %swap3A_318 : vector<1x16xf32> to vector<16xf32>
        %swap3A_320 = vector.shape_cast %get3A_315 : vector<16xf32> to vector<1x16xf32>
        tpu.vector_store %arg7[%swap3A_316, %swap3A_317], %swap3A_320 {add = true, strides = array<i32>} : memref<128x32xf32, #tpu.memory_space<vmem>>, vector<1x16xf32>,
        %mul3A_321 = arith.constant 8 : i32
        %mul3A_322 = arith.muli %scan3A_165, %mul3A_321 : i32
        %add3A_323 = arith.constant 6 : i32
        %add3A_324 = arith.addi %mul3A_322, %add3A_323 : i32
        %get3A_325 = arith.constant 2 : i32
        %get3A_326 = arith.index_cast %get3A_325 : i32 to index
        %get3A_327 = arith.index_cast %add3A_324 : i32 to index
        %get3A_328 = arith.constant 0 : index
        %get3A_329 = tpu.vector_load %arg6[%get3A_326, %get3A_327, %get3A_328] {strides = array<i32>} : memref<4x128x32xf32, #tpu.memory_space<vmem>>, vector<1x1x16xf32>,
        %get3A_330 = vector.shape_cast %get3A_329 : vector<1x1x16xf32> to vector<16xf32>
        %swap3A_331 = arith.index_cast %add3A_324 : i32 to index
        %swap3A_332 = arith.constant 0 : index
        %swap3A_333 = tpu.vector_load %arg7[%swap3A_331, %swap3A_332] {strides = array<i32>} : memref<128x32xf32, #tpu.memory_space<vmem>>, vector<1x16xf32>,
        %swap3A_334 = vector.shape_cast %swap3A_333 : vector<1x16xf32> to vector<16xf32>
        %swap3A_335 = vector.shape_cast %get3A_330 : vector<16xf32> to vector<1x16xf32>
        tpu.vector_store %arg7[%swap3A_331, %swap3A_332], %swap3A_335 {add = true, strides = array<i32>} : memref<128x32xf32, #tpu.memory_space<vmem>>, vector<1x16xf32>,
        %get3A_336 = arith.constant 2 : i32
        %get3A_337 = arith.index_cast %get3A_336 : i32 to index
        %get3A_338 = arith.index_cast %add3A_324 : i32 to index
        %get3A_339 = arith.constant 16 : index
        %get3A_340 = tpu.vector_load %arg6[%get3A_337, %get3A_338, %get3A_339] {strides = array<i32>} : memref<4x128x32xf32, #tpu.memory_space<vmem>>, vector<1x1x16xf32>,
        %get3A_341 = vector.shape_cast %get3A_340 : vector<1x1x16xf32> to vector<16xf32>
        %swap3A_342 = arith.index_cast %add3A_324 : i32 to index
        %swap3A_343 = arith.constant 16 : index
        %swap3A_344 = tpu.vector_load %arg7[%swap3A_342, %swap3A_343] {strides = array<i32>} : memref<128x32xf32, #tpu.memory_space<vmem>>, vector<1x16xf32>,
        %swap3A_345 = vector.shape_cast %swap3A_344 : vector<1x16xf32> to vector<16xf32>
        %swap3A_346 = vector.shape_cast %get3A_341 : vector<16xf32> to vector<1x16xf32>
        tpu.vector_store %arg7[%swap3A_342, %swap3A_343], %swap3A_346 {add = true, strides = array<i32>} : memref<128x32xf32, #tpu.memory_space<vmem>>, vector<1x16xf32>,
        %mul3A_347 = arith.constant 8 : i32
        %mul3A_348 = arith.muli %scan3A_165, %mul3A_347 : i32
        %add3A_349 = arith.constant 7 : i32
        %add3A_350 = arith.addi %mul3A_348, %add3A_349 : i32
        %get3A_351 = arith.constant 2 : i32
        %get3A_352 = arith.index_cast %get3A_351 : i32 to index
        %get3A_353 = arith.index_cast %add3A_350 : i32 to index
        %get3A_354 = arith.constant 0 : index
        %get3A_355 = tpu.vector_load %arg6[%get3A_352, %get3A_353, %get3A_354] {strides = array<i32>} : memref<4x128x32xf32, #tpu.memory_space<vmem>>, vector<1x1x16xf32>,
        %get3A_356 = vector.shape_cast %get3A_355 : vector<1x1x16xf32> to vector<16xf32>
        %swap3A_357 = arith.index_cast %add3A_350 : i32 to index
        %swap3A_358 = arith.constant 0 : index
        %swap3A_359 = tpu.vector_load %arg7[%swap3A_357, %swap3A_358] {strides = array<i32>} : memref<128x32xf32, #tpu.memory_space<vmem>>, vector<1x16xf32>,
        %swap3A_360 = vector.shape_cast %swap3A_359 : vector<1x16xf32> to vector<16xf32>
        %swap3A_361 = vector.shape_cast %get3A_356 : vector<16xf32> to vector<1x16xf32>
        tpu.vector_store %arg7[%swap3A_357, %swap3A_358], %swap3A_361 {add = true, strides = array<i32>} : memref<128x32xf32, #tpu.memory_space<vmem>>, vector<1x16xf32>,
        %get3A_362 = arith.constant 2 : i32
        %get3A_363 = arith.index_cast %get3A_362 : i32 to index
        %get3A_364 = arith.index_cast %add3A_350 : i32 to index
        %get3A_365 = arith.constant 16 : index
        %get3A_366 = tpu.vector_load %arg6[%get3A_363, %get3A_364, %get3A_365] {strides = array<i32>} : memref<4x128x32xf32, #tpu.memory_space<vmem>>, vector<1x1x16xf32>,
        %get3A_367 = vector.shape_cast %get3A_366 : vector<1x1x16xf32> to vector<16xf32>
        %swap3A_368 = arith.index_cast %add3A_350 : i32 to index
        %swap3A_369 = arith.constant 16 : index
        %swap3A_370 = tpu.vector_load %arg7[%swap3A_368, %swap3A_369] {strides = array<i32>} : memref<128x32xf32, #tpu.memory_space<vmem>>, vector<1x16xf32>,
        %swap3A_371 = vector.shape_cast %swap3A_370 : vector<1x16xf32> to vector<16xf32>
        %swap3A_372 = vector.shape_cast %get3A_367 : vector<16xf32> to vector<1x16xf32>
        tpu.vector_store %arg7[%swap3A_368, %swap3A_369], %swap3A_372 {add = true, strides = array<i32>} : memref<128x32xf32, #tpu.memory_space<vmem>>, vector<1x16xf32>,
        %scan3A_373 = arith.constant 0 : i32
        scf.yield %scan3A_373 : i32
      }
      %scan3A_133 = arith.constant 16 : i32
      %lt3A_134 = arith.constant 49 : i32
      %lt3A_135 = arith.cmpi slt, %scan3A_64, %lt3A_134 : i32
      %convert_element_type3A_136 = arith.extui %lt3A_135 : i1 to i32
      %cond3A_137 = arith.constant 0 : i32
      %cond3A_138 = arith.cmpi ne, %convert_element_type3A_136, %cond3A_137 : i32
      scf.if %cond3A_138 {
        %add3A_165 = arith.constant 4 : i32
        %add3A_166 = arith.addi %mul3A_67, %add3A_165 : i32
        %add3A_167 = arith.constant 2 : i32
        %add3A_168 = arith.addi %add3A_166, %add3A_167 : i32
        %dma_start3A_169 = arith.constant 2 : i32
        %dma_start3A_170 = arith.constant 0 : i32
        %dma_start3A_171 = arith.constant 0 : i32
        %dma_start3A_172 = tpu.memref_slice %arg6[%dma_start3A_169, %dma_start3A_170, %dma_start3A_171] : memref<4x128x32xf32, #tpu.memory_space<vmem>> -> memref<1x128x32xf32, #tpu.memory_space<vmem>>
        %dma_start3A_173 = tpu.memref_squeeze %dma_start3A_172 : memref<1x128x32xf32, #tpu.memory_space<vmem>> -> memref<128x32xf32, #tpu.memory_space<vmem>>
        %dma_start3A_174 = arith.constant 0 : i32
        %dma_start3A_175 = tpu.memref_slice %arg5[%add3A_168, %dma_start3A_174] : memref<200x128xi32, #tpu.memory_space<vmem>> -> memref<1x128xi32, #tpu.memory_space<vmem>>
        %dma_start3A_176 = tpu.memref_squeeze %dma_start3A_175 : memref<1x128xi32, #tpu.memory_space<vmem>> -> memref<128xi32, #tpu.memory_space<vmem>>
        %dma_start3A_177 = arith.constant 0 : i32
        %dma_start3A_178 = arith.constant 0 : i32
        %dma_start3A_179 = tpu.memref_slice %arg3[%dma_start3A_177, %dma_start3A_178] : memref<1015808x32xf32, #tpu.memory_space<hbm>> -> memref<1015808x32xf32, #tpu.memory_space<hbm>>
        tpu.enqueue_indirect_dma source(%dma_start3A_179 : memref<1015808x32xf32, #tpu.memory_space<hbm>>) target(%dma_start3A_173 : memref<128x32xf32, #tpu.memory_space<vmem>>) offsets(%dma_start3A_176 : memref<128xi32, #tpu.memory_space<vmem>>) semaphore(%arg10 : memref<!tpu.dma_semaphore, #tpu.memory_space<semaphore_mem>>)
      } else {
      }
      %add3A_139 = arith.constant 3 : i32
      %add3A_140 = arith.addi %mul3A_67, %add3A_139 : i32
      %dma_wait3A_141 = arith.constant 3 : i32
      %dma_wait3A_142 = arith.constant 0 : i32
      %dma_wait3A_143 = arith.constant 0 : i32
      %dma_wait3A_144 = tpu.memref_slice %arg6[%dma_wait3A_141, %dma_wait3A_142, %dma_wait3A_143] : memref<4x128x32xf32, #tpu.memory_space<vmem>> -> memref<1x128x32xf32, #tpu.memory_space<vmem>>
      %dma_wait3A_145 = tpu.memref_squeeze %dma_wait3A_144 : memref<1x128x32xf32, #tpu.memory_space<vmem>> -> memref<128x32xf32, #tpu.memory_space<vmem>>
      %dma_wait3A_146 = arith.constant 0 : i32
      %dma_wait3A_147 = tpu.memref_slice %arg5[%add3A_140, %dma_wait3A_146] : memref<200x128xi32, #tpu.memory_space<vmem>> -> memref<1x128xi32, #tpu.memory_space<vmem>>
      %dma_wait3A_148 = tpu.memref_squeeze %dma_wait3A_147 : memref<1x128xi32, #tpu.memory_space<vmem>> -> memref<128xi32, #tpu.memory_space<vmem>>
      %dma_wait3A_149 = arith.constant 0 : i32
      %dma_wait3A_150 = arith.constant 0 : i32
      %dma_wait3A_151 = tpu.memref_slice %arg3[%dma_wait3A_149, %dma_wait3A_150] : memref<1015808x32xf32, #tpu.memory_space<hbm>> -> memref<1015808x32xf32, #tpu.memory_space<hbm>>
      tpu.wait_indirect_dma semaphore(%arg11 : memref<!tpu.dma_semaphore, #tpu.memory_space<semaphore_mem>>) src(%dma_wait3A_151 : memref<1015808x32xf32, #tpu.memory_space<hbm>>) dst(%dma_wait3A_145 : memref<128x32xf32, #tpu.memory_space<vmem>>)
      %scan3A_152 = arith.constant 0 : i32
      %scan3A_153 = arith.constant 0 : i32
      %scan3A_154 = arith.constant 16 : i32
      %scan3A_155 = arith.addi %scan3A_153, %scan3A_154 : i32
      %scan3A_156 = arith.constant 1 : i32
      %scan3A_157 = scf.for %scan3A_165 = %scan3A_153 to %scan3A_155 step %scan3A_156 iter_args(%scan3A_166 = %scan3A_152) -> (i32)  : i32 {
        %mul3A_167 = arith.constant 8 : i32
        %mul3A_168 = arith.muli %scan3A_165, %mul3A_167 : i32
        %add3A_169 = arith.constant 0 : i32
        %add3A_170 = arith.addi %mul3A_168, %add3A_169 : i32
        %get3A = arith.constant 3 : i32
        %get3A_171 = arith.index_cast %get3A : i32 to index
        %get3A_172 = arith.index_cast %add3A_170 : i32 to index
        %get3A_173 = arith.constant 0 : index
        %get3A_174 = tpu.vector_load %arg6[%get3A_171, %get3A_172, %get3A_173] {strides = array<i32>} : memref<4x128x32xf32, #tpu.memory_space<vmem>>, vector<1x1x16xf32>,
        %get3A_175 = vector.shape_cast %get3A_174 : vector<1x1x16xf32> to vector<16xf32>
        %swap3A = arith.index_cast %add3A_170 : i32 to index
        %swap3A_176 = arith.constant 0 : index
        %swap3A_177 = tpu.vector_load %arg7[%swap3A, %swap3A_176] {strides = array<i32>} : memref<128x32xf32, #tpu.memory_space<vmem>>, vector<1x16xf32>,
        %swap3A_178 = vector.shape_cast %swap3A_177 : vector<1x16xf32> to vector<16xf32>
        %swap3A_179 = vector.shape_cast %get3A_175 : vector<16xf32> to vector<1x16xf32>
        tpu.vector_store %arg7[%swap3A, %swap3A_176], %swap3A_179 {add = true, strides = array<i32>} : memref<128x32xf32, #tpu.memory_space<vmem>>, vector<1x16xf32>,
        %get3A_180 = arith.constant 3 : i32
        %get3A_181 = arith.index_cast %get3A_180 : i32 to index
        %get3A_182 = arith.index_cast %add3A_170 : i32 to index
        %get3A_183 = arith.constant 16 : index
        %get3A_184 = tpu.vector_load %arg6[%get3A_181, %get3A_182, %get3A_183] {strides = array<i32>} : memref<4x128x32xf32, #tpu.memory_space<vmem>>, vector<1x1x16xf32>,
        %get3A_185 = vector.shape_cast %get3A_184 : vector<1x1x16xf32> to vector<16xf32>
        %swap3A_186 = arith.index_cast %add3A_170 : i32 to index
        %swap3A_187 = arith.constant 16 : index
        %swap3A_188 = tpu.vector_load %arg7[%swap3A_186, %swap3A_187] {strides = array<i32>} : memref<128x32xf32, #tpu.memory_space<vmem>>, vector<1x16xf32>,
        %swap3A_189 = vector.shape_cast %swap3A_188 : vector<1x16xf32> to vector<16xf32>
        %swap3A_190 = vector.shape_cast %get3A_185 : vector<16xf32> to vector<1x16xf32>
        tpu.vector_store %arg7[%swap3A_186, %swap3A_187], %swap3A_190 {add = true, strides = array<i32>} : memref<128x32xf32, #tpu.memory_space<vmem>>, vector<1x16xf32>,
        %mul3A_191 = arith.constant 8 : i32
        %mul3A_192 = arith.muli %scan3A_165, %mul3A_191 : i32
        %add3A_193 = arith.constant 1 : i32
        %add3A_194 = arith.addi %mul3A_192, %add3A_193 : i32
        %get3A_195 = arith.constant 3 : i32
        %get3A_196 = arith.index_cast %get3A_195 : i32 to index
        %get3A_197 = arith.index_cast %add3A_194 : i32 to index
        %get3A_198 = arith.constant 0 : index
        %get3A_199 = tpu.vector_load %arg6[%get3A_196, %get3A_197, %get3A_198] {strides = array<i32>} : memref<4x128x32xf32, #tpu.memory_space<vmem>>, vector<1x1x16xf32>,
        %get3A_200 = vector.shape_cast %get3A_199 : vector<1x1x16xf32> to vector<16xf32>
        %swap3A_201 = arith.index_cast %add3A_194 : i32 to index
        %swap3A_202 = arith.constant 0 : index
        %swap3A_203 = tpu.vector_load %arg7[%swap3A_201, %swap3A_202] {strides = array<i32>} : memref<128x32xf32, #tpu.memory_space<vmem>>, vector<1x16xf32>,
        %swap3A_204 = vector.shape_cast %swap3A_203 : vector<1x16xf32> to vector<16xf32>
        %swap3A_205 = vector.shape_cast %get3A_200 : vector<16xf32> to vector<1x16xf32>
        tpu.vector_store %arg7[%swap3A_201, %swap3A_202], %swap3A_205 {add = true, strides = array<i32>} : memref<128x32xf32, #tpu.memory_space<vmem>>, vector<1x16xf32>,
        %get3A_206 = arith.constant 3 : i32
        %get3A_207 = arith.index_cast %get3A_206 : i32 to index
        %get3A_208 = arith.index_cast %add3A_194 : i32 to index
        %get3A_209 = arith.constant 16 : index
        %get3A_210 = tpu.vector_load %arg6[%get3A_207, %get3A_208, %get3A_209] {strides = array<i32>} : memref<4x128x32xf32, #tpu.memory_space<vmem>>, vector<1x1x16xf32>,
        %get3A_211 = vector.shape_cast %get3A_210 : vector<1x1x16xf32> to vector<16xf32>
        %swap3A_212 = arith.index_cast %add3A_194 : i32 to index
        %swap3A_213 = arith.constant 16 : index
        %swap3A_214 = tpu.vector_load %arg7[%swap3A_212, %swap3A_213] {strides = array<i32>} : memref<128x32xf32, #tpu.memory_space<vmem>>, vector<1x16xf32>,
        %swap3A_215 = vector.shape_cast %swap3A_214 : vector<1x16xf32> to vector<16xf32>
        %swap3A_216 = vector.shape_cast %get3A_211 : vector<16xf32> to vector<1x16xf32>
        tpu.vector_store %arg7[%swap3A_212, %swap3A_213], %swap3A_216 {add = true, strides = array<i32>} : memref<128x32xf32, #tpu.memory_space<vmem>>, vector<1x16xf32>,
        %mul3A_217 = arith.constant 8 : i32
        %mul3A_218 = arith.muli %scan3A_165, %mul3A_217 : i32
        %add3A_219 = arith.constant 2 : i32
        %add3A_220 = arith.addi %mul3A_218, %add3A_219 : i32
        %get3A_221 = arith.constant 3 : i32
        %get3A_222 = arith.index_cast %get3A_221 : i32 to index
        %get3A_223 = arith.index_cast %add3A_220 : i32 to index
        %get3A_224 = arith.constant 0 : index
        %get3A_225 = tpu.vector_load %arg6[%get3A_222, %get3A_223, %get3A_224] {strides = array<i32>} : memref<4x128x32xf32, #tpu.memory_space<vmem>>, vector<1x1x16xf32>,
        %get3A_226 = vector.shape_cast %get3A_225 : vector<1x1x16xf32> to vector<16xf32>
        %swap3A_227 = arith.index_cast %add3A_220 : i32 to index
        %swap3A_228 = arith.constant 0 : index
        %swap3A_229 = tpu.vector_load %arg7[%swap3A_227, %swap3A_228] {strides = array<i32>} : memref<128x32xf32, #tpu.memory_space<vmem>>, vector<1x16xf32>,
        %swap3A_230 = vector.shape_cast %swap3A_229 : vector<1x16xf32> to vector<16xf32>
        %swap3A_231 = vector.shape_cast %get3A_226 : vector<16xf32> to vector<1x16xf32>
        tpu.vector_store %arg7[%swap3A_227, %swap3A_228], %swap3A_231 {add = true, strides = array<i32>} : memref<128x32xf32, #tpu.memory_space<vmem>>, vector<1x16xf32>,
        %get3A_232 = arith.constant 3 : i32
        %get3A_233 = arith.index_cast %get3A_232 : i32 to index
        %get3A_234 = arith.index_cast %add3A_220 : i32 to index
        %get3A_235 = arith.constant 16 : index
        %get3A_236 = tpu.vector_load %arg6[%get3A_233, %get3A_234, %get3A_235] {strides = array<i32>} : memref<4x128x32xf32, #tpu.memory_space<vmem>>, vector<1x1x16xf32>,
        %get3A_237 = vector.shape_cast %get3A_236 : vector<1x1x16xf32> to vector<16xf32>
        %swap3A_238 = arith.index_cast %add3A_220 : i32 to index
        %swap3A_239 = arith.constant 16 : index
        %swap3A_240 = tpu.vector_load %arg7[%swap3A_238, %swap3A_239] {strides = array<i32>} : memref<128x32xf32, #tpu.memory_space<vmem>>, vector<1x16xf32>,
        %swap3A_241 = vector.shape_cast %swap3A_240 : vector<1x16xf32> to vector<16xf32>
        %swap3A_242 = vector.shape_cast %get3A_237 : vector<16xf32> to vector<1x16xf32>
        tpu.vector_store %arg7[%swap3A_238, %swap3A_239], %swap3A_242 {add = true, strides = array<i32>} : memref<128x32xf32, #tpu.memory_space<vmem>>, vector<1x16xf32>,
        %mul3A_243 = arith.constant 8 : i32
        %mul3A_244 = arith.muli %scan3A_165, %mul3A_243 : i32
        %add3A_245 = arith.constant 3 : i32
        %add3A_246 = arith.addi %mul3A_244, %add3A_245 : i32
        %get3A_247 = arith.constant 3 : i32
        %get3A_248 = arith.index_cast %get3A_247 : i32 to index
        %get3A_249 = arith.index_cast %add3A_246 : i32 to index
        %get3A_250 = arith.constant 0 : index
        %get3A_251 = tpu.vector_load %arg6[%get3A_248, %get3A_249, %get3A_250] {strides = array<i32>} : memref<4x128x32xf32, #tpu.memory_space<vmem>>, vector<1x1x16xf32>,
        %get3A_252 = vector.shape_cast %get3A_251 : vector<1x1x16xf32> to vector<16xf32>
        %swap3A_253 = arith.index_cast %add3A_246 : i32 to index
        %swap3A_254 = arith.constant 0 : index
        %swap3A_255 = tpu.vector_load %arg7[%swap3A_253, %swap3A_254] {strides = array<i32>} : memref<128x32xf32, #tpu.memory_space<vmem>>, vector<1x16xf32>,
        %swap3A_256 = vector.shape_cast %swap3A_255 : vector<1x16xf32> to vector<16xf32>
        %swap3A_257 = vector.shape_cast %get3A_252 : vector<16xf32> to vector<1x16xf32>
        tpu.vector_store %arg7[%swap3A_253, %swap3A_254], %swap3A_257 {add = true, strides = array<i32>} : memref<128x32xf32, #tpu.memory_space<vmem>>, vector<1x16xf32>,
        %get3A_258 = arith.constant 3 : i32
        %get3A_259 = arith.index_cast %get3A_258 : i32 to index
        %get3A_260 = arith.index_cast %add3A_246 : i32 to index
        %get3A_261 = arith.constant 16 : index
        %get3A_262 = tpu.vector_load %arg6[%get3A_259, %get3A_260, %get3A_261] {strides = array<i32>} : memref<4x128x32xf32, #tpu.memory_space<vmem>>, vector<1x1x16xf32>,
        %get3A_263 = vector.shape_cast %get3A_262 : vector<1x1x16xf32> to vector<16xf32>
        %swap3A_264 = arith.index_cast %add3A_246 : i32 to index
        %swap3A_265 = arith.constant 16 : index
        %swap3A_266 = tpu.vector_load %arg7[%swap3A_264, %swap3A_265] {strides = array<i32>} : memref<128x32xf32, #tpu.memory_space<vmem>>, vector<1x16xf32>,
        %swap3A_267 = vector.shape_cast %swap3A_266 : vector<1x16xf32> to vector<16xf32>
        %swap3A_268 = vector.shape_cast %get3A_263 : vector<16xf32> to vector<1x16xf32>
        tpu.vector_store %arg7[%swap3A_264, %swap3A_265], %swap3A_268 {add = true, strides = array<i32>} : memref<128x32xf32, #tpu.memory_space<vmem>>, vector<1x16xf32>,
        %mul3A_269 = arith.constant 8 : i32
        %mul3A_270 = arith.muli %scan3A_165, %mul3A_269 : i32
        %add3A_271 = arith.constant 4 : i32
        %add3A_272 = arith.addi %mul3A_270, %add3A_271 : i32
        %get3A_273 = arith.constant 3 : i32
        %get3A_274 = arith.index_cast %get3A_273 : i32 to index
        %get3A_275 = arith.index_cast %add3A_272 : i32 to index
        %get3A_276 = arith.constant 0 : index
        %get3A_277 = tpu.vector_load %arg6[%get3A_274, %get3A_275, %get3A_276] {strides = array<i32>} : memref<4x128x32xf32, #tpu.memory_space<vmem>>, vector<1x1x16xf32>,
        %get3A_278 = vector.shape_cast %get3A_277 : vector<1x1x16xf32> to vector<16xf32>
        %swap3A_279 = arith.index_cast %add3A_272 : i32 to index
        %swap3A_280 = arith.constant 0 : index
        %swap3A_281 = tpu.vector_load %arg7[%swap3A_279, %swap3A_280] {strides = array<i32>} : memref<128x32xf32, #tpu.memory_space<vmem>>, vector<1x16xf32>,
        %swap3A_282 = vector.shape_cast %swap3A_281 : vector<1x16xf32> to vector<16xf32>
        %swap3A_283 = vector.shape_cast %get3A_278 : vector<16xf32> to vector<1x16xf32>
        tpu.vector_store %arg7[%swap3A_279, %swap3A_280], %swap3A_283 {add = true, strides = array<i32>} : memref<128x32xf32, #tpu.memory_space<vmem>>, vector<1x16xf32>,
        %get3A_284 = arith.constant 3 : i32
        %get3A_285 = arith.index_cast %get3A_284 : i32 to index
        %get3A_286 = arith.index_cast %add3A_272 : i32 to index
        %get3A_287 = arith.constant 16 : index
        %get3A_288 = tpu.vector_load %arg6[%get3A_285, %get3A_286, %get3A_287] {strides = array<i32>} : memref<4x128x32xf32, #tpu.memory_space<vmem>>, vector<1x1x16xf32>,
        %get3A_289 = vector.shape_cast %get3A_288 : vector<1x1x16xf32> to vector<16xf32>
        %swap3A_290 = arith.index_cast %add3A_272 : i32 to index
        %swap3A_291 = arith.constant 16 : index
        %swap3A_292 = tpu.vector_load %arg7[%swap3A_290, %swap3A_291] {strides = array<i32>} : memref<128x32xf32, #tpu.memory_space<vmem>>, vector<1x16xf32>,
        %swap3A_293 = vector.shape_cast %swap3A_292 : vector<1x16xf32> to vector<16xf32>
        %swap3A_294 = vector.shape_cast %get3A_289 : vector<16xf32> to vector<1x16xf32>
        tpu.vector_store %arg7[%swap3A_290, %swap3A_291], %swap3A_294 {add = true, strides = array<i32>} : memref<128x32xf32, #tpu.memory_space<vmem>>, vector<1x16xf32>,
        %mul3A_295 = arith.constant 8 : i32
        %mul3A_296 = arith.muli %scan3A_165, %mul3A_295 : i32
        %add3A_297 = arith.constant 5 : i32
        %add3A_298 = arith.addi %mul3A_296, %add3A_297 : i32
        %get3A_299 = arith.constant 3 : i32
        %get3A_300 = arith.index_cast %get3A_299 : i32 to index
        %get3A_301 = arith.index_cast %add3A_298 : i32 to index
        %get3A_302 = arith.constant 0 : index
        %get3A_303 = tpu.vector_load %arg6[%get3A_300, %get3A_301, %get3A_302] {strides = array<i32>} : memref<4x128x32xf32, #tpu.memory_space<vmem>>, vector<1x1x16xf32>,
        %get3A_304 = vector.shape_cast %get3A_303 : vector<1x1x16xf32> to vector<16xf32>
        %swap3A_305 = arith.index_cast %add3A_298 : i32 to index
        %swap3A_306 = arith.constant 0 : index
        %swap3A_307 = tpu.vector_load %arg7[%swap3A_305, %swap3A_306] {strides = array<i32>} : memref<128x32xf32, #tpu.memory_space<vmem>>, vector<1x16xf32>,
        %swap3A_308 = vector.shape_cast %swap3A_307 : vector<1x16xf32> to vector<16xf32>
        %swap3A_309 = vector.shape_cast %get3A_304 : vector<16xf32> to vector<1x16xf32>
        tpu.vector_store %arg7[%swap3A_305, %swap3A_306], %swap3A_309 {add = true, strides = array<i32>} : memref<128x32xf32, #tpu.memory_space<vmem>>, vector<1x16xf32>,
        %get3A_310 = arith.constant 3 : i32
        %get3A_311 = arith.index_cast %get3A_310 : i32 to index
        %get3A_312 = arith.index_cast %add3A_298 : i32 to index
        %get3A_313 = arith.constant 16 : index
        %get3A_314 = tpu.vector_load %arg6[%get3A_311, %get3A_312, %get3A_313] {strides = array<i32>} : memref<4x128x32xf32, #tpu.memory_space<vmem>>, vector<1x1x16xf32>,
        %get3A_315 = vector.shape_cast %get3A_314 : vector<1x1x16xf32> to vector<16xf32>
        %swap3A_316 = arith.index_cast %add3A_298 : i32 to index
        %swap3A_317 = arith.constant 16 : index
        %swap3A_318 = tpu.vector_load %arg7[%swap3A_316, %swap3A_317] {strides = array<i32>} : memref<128x32xf32, #tpu.memory_space<vmem>>, vector<1x16xf32>,
        %swap3A_319 = vector.shape_cast %swap3A_318 : vector<1x16xf32> to vector<16xf32>
        %swap3A_320 = vector.shape_cast %get3A_315 : vector<16xf32> to vector<1x16xf32>
        tpu.vector_store %arg7[%swap3A_316, %swap3A_317], %swap3A_320 {add = true, strides = array<i32>} : memref<128x32xf32, #tpu.memory_space<vmem>>, vector<1x16xf32>,
        %mul3A_321 = arith.constant 8 : i32
        %mul3A_322 = arith.muli %scan3A_165, %mul3A_321 : i32
        %add3A_323 = arith.constant 6 : i32
        %add3A_324 = arith.addi %mul3A_322, %add3A_323 : i32
        %get3A_325 = arith.constant 3 : i32
        %get3A_326 = arith.index_cast %get3A_325 : i32 to index
        %get3A_327 = arith.index_cast %add3A_324 : i32 to index
        %get3A_328 = arith.constant 0 : index
        %get3A_329 = tpu.vector_load %arg6[%get3A_326, %get3A_327, %get3A_328] {strides = array<i32>} : memref<4x128x32xf32, #tpu.memory_space<vmem>>, vector<1x1x16xf32>,
        %get3A_330 = vector.shape_cast %get3A_329 : vector<1x1x16xf32> to vector<16xf32>
        %swap3A_331 = arith.index_cast %add3A_324 : i32 to index
        %swap3A_332 = arith.constant 0 : index
        %swap3A_333 = tpu.vector_load %arg7[%swap3A_331, %swap3A_332] {strides = array<i32>} : memref<128x32xf32, #tpu.memory_space<vmem>>, vector<1x16xf32>,
        %swap3A_334 = vector.shape_cast %swap3A_333 : vector<1x16xf32> to vector<16xf32>
        %swap3A_335 = vector.shape_cast %get3A_330 : vector<16xf32> to vector<1x16xf32>
        tpu.vector_store %arg7[%swap3A_331, %swap3A_332], %swap3A_335 {add = true, strides = array<i32>} : memref<128x32xf32, #tpu.memory_space<vmem>>, vector<1x16xf32>,
        %get3A_336 = arith.constant 3 : i32
        %get3A_337 = arith.index_cast %get3A_336 : i32 to index
        %get3A_338 = arith.index_cast %add3A_324 : i32 to index
        %get3A_339 = arith.constant 16 : index
        %get3A_340 = tpu.vector_load %arg6[%get3A_337, %get3A_338, %get3A_339] {strides = array<i32>} : memref<4x128x32xf32, #tpu.memory_space<vmem>>, vector<1x1x16xf32>,
        %get3A_341 = vector.shape_cast %get3A_340 : vector<1x1x16xf32> to vector<16xf32>
        %swap3A_342 = arith.index_cast %add3A_324 : i32 to index
        %swap3A_343 = arith.constant 16 : index
        %swap3A_344 = tpu.vector_load %arg7[%swap3A_342, %swap3A_343] {strides = array<i32>} : memref<128x32xf32, #tpu.memory_space<vmem>>, vector<1x16xf32>,
        %swap3A_345 = vector.shape_cast %swap3A_344 : vector<1x16xf32> to vector<16xf32>
        %swap3A_346 = vector.shape_cast %get3A_341 : vector<16xf32> to vector<1x16xf32>
        tpu.vector_store %arg7[%swap3A_342, %swap3A_343], %swap3A_346 {add = true, strides = array<i32>} : memref<128x32xf32, #tpu.memory_space<vmem>>, vector<1x16xf32>,
        %mul3A_347 = arith.constant 8 : i32
        %mul3A_348 = arith.muli %scan3A_165, %mul3A_347 : i32
        %add3A_349 = arith.constant 7 : i32
        %add3A_350 = arith.addi %mul3A_348, %add3A_349 : i32
        %get3A_351 = arith.constant 3 : i32
        %get3A_352 = arith.index_cast %get3A_351 : i32 to index
        %get3A_353 = arith.index_cast %add3A_350 : i32 to index
        %get3A_354 = arith.constant 0 : index
        %get3A_355 = tpu.vector_load %arg6[%get3A_352, %get3A_353, %get3A_354] {strides = array<i32>} : memref<4x128x32xf32, #tpu.memory_space<vmem>>, vector<1x1x16xf32>,
        %get3A_356 = vector.shape_cast %get3A_355 : vector<1x1x16xf32> to vector<16xf32>
        %swap3A_357 = arith.index_cast %add3A_350 : i32 to index
        %swap3A_358 = arith.constant 0 : index
        %swap3A_359 = tpu.vector_load %arg7[%swap3A_357, %swap3A_358] {strides = array<i32>} : memref<128x32xf32, #tpu.memory_space<vmem>>, vector<1x16xf32>,
        %swap3A_360 = vector.shape_cast %swap3A_359 : vector<1x16xf32> to vector<16xf32>
        %swap3A_361 = vector.shape_cast %get3A_356 : vector<16xf32> to vector<1x16xf32>
        tpu.vector_store %arg7[%swap3A_357, %swap3A_358], %swap3A_361 {add = true, strides = array<i32>} : memref<128x32xf32, #tpu.memory_space<vmem>>, vector<1x16xf32>,
        %get3A_362 = arith.constant 3 : i32
        %get3A_363 = arith.index_cast %get3A_362 : i32 to index
        %get3A_364 = arith.index_cast %add3A_350 : i32 to index
        %get3A_365 = arith.constant 16 : index
        %get3A_366 = tpu.vector_load %arg6[%get3A_363, %get3A_364, %get3A_365] {strides = array<i32>} : memref<4x128x32xf32, #tpu.memory_space<vmem>>, vector<1x1x16xf32>,
        %get3A_367 = vector.shape_cast %get3A_366 : vector<1x1x16xf32> to vector<16xf32>
        %swap3A_368 = arith.index_cast %add3A_350 : i32 to index
        %swap3A_369 = arith.constant 16 : index
        %swap3A_370 = tpu.vector_load %arg7[%swap3A_368, %swap3A_369] {strides = array<i32>} : memref<128x32xf32, #tpu.memory_space<vmem>>, vector<1x16xf32>,
        %swap3A_371 = vector.shape_cast %swap3A_370 : vector<1x16xf32> to vector<16xf32>
        %swap3A_372 = vector.shape_cast %get3A_367 : vector<16xf32> to vector<1x16xf32>
        tpu.vector_store %arg7[%swap3A_368, %swap3A_369], %swap3A_372 {add = true, strides = array<i32>} : memref<128x32xf32, #tpu.memory_space<vmem>>, vector<1x16xf32>,
        %scan3A_373 = arith.constant 0 : i32
        scf.yield %scan3A_373 : i32
      }
      %scan3A_158 = arith.constant 16 : i32
      %lt3A_159 = arith.constant 49 : i32
      %lt3A_160 = arith.cmpi slt, %scan3A_64, %lt3A_159 : i32
      %convert_element_type3A_161 = arith.extui %lt3A_160 : i1 to i32
      %cond3A_162 = arith.constant 0 : i32
      %cond3A_163 = arith.cmpi ne, %convert_element_type3A_161, %cond3A_162 : i32
      scf.if %cond3A_163 {
        %add3A_165 = arith.constant 4 : i32
        %add3A_166 = arith.addi %mul3A_67, %add3A_165 : i32
        %add3A_167 = arith.constant 3 : i32
        %add3A_168 = arith.addi %add3A_166, %add3A_167 : i32
        %dma_start3A_169 = arith.constant 3 : i32
        %dma_start3A_170 = arith.constant 0 : i32
        %dma_start3A_171 = arith.constant 0 : i32
        %dma_start3A_172 = tpu.memref_slice %arg6[%dma_start3A_169, %dma_start3A_170, %dma_start3A_171] : memref<4x128x32xf32, #tpu.memory_space<vmem>> -> memref<1x128x32xf32, #tpu.memory_space<vmem>>
        %dma_start3A_173 = tpu.memref_squeeze %dma_start3A_172 : memref<1x128x32xf32, #tpu.memory_space<vmem>> -> memref<128x32xf32, #tpu.memory_space<vmem>>
        %dma_start3A_174 = arith.constant 0 : i32
        %dma_start3A_175 = tpu.memref_slice %arg5[%add3A_168, %dma_start3A_174] : memref<200x128xi32, #tpu.memory_space<vmem>> -> memref<1x128xi32, #tpu.memory_space<vmem>>
        %dma_start3A_176 = tpu.memref_squeeze %dma_start3A_175 : memref<1x128xi32, #tpu.memory_space<vmem>> -> memref<128xi32, #tpu.memory_space<vmem>>
        %dma_start3A_177 = arith.constant 0 : i32
        %dma_start3A_178 = arith.constant 0 : i32
        %dma_start3A_179 = tpu.memref_slice %arg3[%dma_start3A_177, %dma_start3A_178] : memref<1015808x32xf32, #tpu.memory_space<hbm>> -> memref<1015808x32xf32, #tpu.memory_space<hbm>>
        tpu.enqueue_indirect_dma source(%dma_start3A_179 : memref<1015808x32xf32, #tpu.memory_space<hbm>>) target(%dma_start3A_173 : memref<128x32xf32, #tpu.memory_space<vmem>>) offsets(%dma_start3A_176 : memref<128xi32, #tpu.memory_space<vmem>>) semaphore(%arg11 : memref<!tpu.dma_semaphore, #tpu.memory_space<semaphore_mem>>)
      } else {
      }
      %scan3A_164 = arith.constant 0 : i32
      scf.yield %scan3A_164 : i32
    }
    %scan3A_63 = arith.constant 50 : i32
    "tpu.region"() ({
      %run_scoped3A = tpu.sem_alloc : memref<!tpu.dma_semaphore, #tpu.memory_space<semaphore_mem>>
      %dma_start3A_64 = arith.constant 0 : i32
      %dma_start3A_65 = tpu.memref_slice %arg4[%mul3A_2, %dma_start3A_64] : memref<4096x32xf32, #tpu.memory_space<hbm>> -> memref<128x32xf32, #tpu.memory_space<hbm>>
      %dma_start3A_66 = arith.constant 0 : i32
      %dma_start3A_67 = tpu.memref_slice %arg4[%mul3A_2, %dma_start3A_66] : memref<4096x32xf32, #tpu.memory_space<hbm>> -> memref<128x32xf32, #tpu.memory_space<hbm>>
      tpu.enqueue_dma source(%arg7 : memref<128x32xf32, #tpu.memory_space<vmem>>) target(%dma_start3A_67 : memref<128x32xf32, #tpu.memory_space<hbm>>) target_semaphore(%run_scoped3A : memref<!tpu.dma_semaphore, #tpu.memory_space<semaphore_mem>>)
      %dma_wait3A = arith.constant 0 : i32
      %dma_wait3A_68 = tpu.memref_slice %arg4[%mul3A_2, %dma_wait3A] : memref<4096x32xf32, #tpu.memory_space<hbm>> -> memref<128x32xf32, #tpu.memory_space<hbm>>
      %dma_wait3A_69 = arith.constant 0 : i32
      %dma_wait3A_70 = tpu.memref_slice %arg4[%mul3A_2, %dma_wait3A_69] : memref<4096x32xf32, #tpu.memory_space<hbm>> -> memref<128x32xf32, #tpu.memory_space<hbm>>
      tpu.wait_dma2 semaphore(%run_scoped3A : memref<!tpu.dma_semaphore, #tpu.memory_space<semaphore_mem>>) src(%arg7 : memref<128x32xf32, #tpu.memory_space<vmem>>) dst(%dma_wait3A_70 : memref<128x32xf32, #tpu.memory_space<hbm>>)
      tpu.yield
    }) : () -> ()
    return
  }
}

module attributes {stable_mosaic.version = 14 : i64} {
  func.func @body(%arg0: i32, %arg1: memref<32x32768xf32, #tpu.memory_space<vmem>>, %arg2: memref<8192x128xf32, #tpu.memory_space<vmem>>) attributes {dimension_semantics = [#tpu.dimension_semantics<arbitrary>], iteration_bounds = array<i64: 31>, scalar_prefetch = 0 : i64, scratch_operands = 0 : i64, tpu.core_type = #tpu.core_type<tc>, window_params = [{transform_indices = @transform_0, window_bounds = array<i64: 32, 32768>}, {transform_indices = @transform_1, window_bounds = array<i64: 8192, 128>}]} {
    %get3A = arith.constant 0 : index
    %get3A_0 = arith.constant 0 : index
    %get3A_1 = vector.load %arg1[%get3A, %get3A_0] : memref<32x32768xf32, #tpu.memory_space<vmem>>, vector<32x32768xf32>
    %slice3A = vector.extract_strided_slice %get3A_1 {offsets = [0, 0], sizes = [32, 8192], strides = [1, 1]} : vector<32x32768xf32> to vector<32x8192xf32>
    %slice3A_2 = vector.extract_strided_slice %get3A_1 {offsets = [0, 8192], sizes = [32, 8192], strides = [1, 1]} : vector<32x32768xf32> to vector<32x8192xf32>
    %slice3A_3 = vector.extract_strided_slice %get3A_1 {offsets = [0, 16384], sizes = [32, 8192], strides = [1, 1]} : vector<32x32768xf32> to vector<32x8192xf32>
    %slice3A_4 = vector.extract_strided_slice %get3A_1 {offsets = [0, 24576], sizes = [32, 8192], strides = [1, 1]} : vector<32x32768xf32> to vector<32x8192xf32>
    %concatenate3A = tpu.concatenate %slice3A, %slice3A_2, %slice3A_3, %slice3A_4 in 0 : vector<32x8192xf32>, vector<32x8192xf32>, vector<32x8192xf32>, vector<32x8192xf32> -> vector<128x8192xf32>
    %iota3A = tpu.iota {dimensions = array<i32: 0>} : vector<128x128xi32>
    %iota3A_5 = tpu.iota {dimensions = array<i32: 1>} : vector<128x128xi32>
    %add3A = arith.constant 0 : i32
    %add3A_6 = vector.broadcast %add3A : i32 to vector<128x128xi32>
    %add3A_7 = arith.addi %iota3A, %add3A_6 : vector<128x128xi32>
    %eq3A = arith.cmpi eq, %add3A_7, %iota3A_5 : vector<128x128xi32>
    %convert_element_type3A = arith.extui %eq3A : vector<128x128xi1> to vector<128x128xi32>
    %convert_element_type3A_8 = arith.sitofp %convert_element_type3A : vector<128x128xi32> to vector<128x128xf32>
    %dot_general3A = arith.constant dense<0.000000e+00> : vector<8192x128xf32>
    %dot_general3A_9 = tpu.matmul %concatenate3A, %convert_element_type3A_8, %dot_general3A {dimension_numbers = #tpu.dot_dimension_numbers<[0], [0], [1], [1], [0, 1, 1, 1], [], []>, transpose_lhs_hint = false} : vector<128x8192xf32>, vector<128x128xf32>, vector<8192x128xf32> -> vector<8192x128xf32>
    %swap3A = arith.constant 0 : index
    %swap3A_10 = arith.constant 0 : index
    %swap3A_11 = vector.load %arg2[%swap3A, %swap3A_10] : memref<8192x128xf32, #tpu.memory_space<vmem>>, vector<8192x128xf32>
    tpu.vector_store %arg2[%swap3A, %swap3A_10], %dot_general3A_9 {strides = array<i32>} : memref<8192x128xf32, #tpu.memory_space<vmem>>, vector<8192x128xf32>,
    return
  }
  func.func @transform_0(%arg0: i32) -> (i32, i32) {
    %c0_i32 = arith.constant 0 : i32
    %c0_i32_0 = arith.constant 0 : i32
    return %c0_i32, %arg0 : i32, i32
  }
  func.func @transform_1(%arg0: i32) -> (i32, i32) {
    %c0_i32 = arith.constant 0 : i32
    %c0_i32_0 = arith.constant 0 : i32
    return %arg0, %c0_i32 : i32, i32
  }
}

module attributes {stable_mosaic.version = 14 : i64} {
  func.func @body(%arg0: memref<4096x32xf32, #tpu.memory_space<vmem>>, %arg1: memref<4096x1xf32, #tpu.memory_space<vmem>>, %arg2: memref<32x50xf32, #tpu.memory_space<vmem>>, %arg3: memref<1x50xf32, #tpu.memory_space<vmem>>, %arg4: memref<1x50xf32, #tpu.memory_space<vmem>>, %arg5: memref<50x100xf32, #tpu.memory_space<vmem>>, %arg6: memref<1x100xf32, #tpu.memory_space<vmem>>, %arg7: memref<4096x100xf32, #tpu.memory_space<vmem>>) attributes {dimension_semantics = [], scalar_prefetch = 0 : i64, scratch_operands = 0 : i64, tpu.core_type = #tpu.core_type<tc>} {
    %get3A = arith.constant 0 : index
    %get3A_0 = arith.constant 0 : index
    %get3A_1 = vector.load %arg0[%get3A, %get3A_0] : memref<4096x32xf32, #tpu.memory_space<vmem>>, vector<4096x32xf32>
    %mul3A = arith.constant 5.000000e-03 : f32
    %mul3A_2 = vector.broadcast %mul3A : f32 to vector<4096x32xf32>
    %mul3A_3 = arith.mulf %get3A_1, %mul3A_2 : vector<4096x32xf32>
    %get3A_4 = arith.constant 0 : index
    %get3A_5 = arith.constant 0 : index
    %get3A_6 = vector.load %arg2[%get3A_4, %get3A_5] : memref<32x50xf32, #tpu.memory_space<vmem>>, vector<32x50xf32>
    %dot_general3A = arith.constant dense<0.000000e+00> : vector<4096x50xf32>
    %dot_general3A_7 = tpu.matmul %mul3A_3, %get3A_6, %dot_general3A {dimension_numbers = #tpu.dot_dimension_numbers<[1], [0], [0], [1], [0, 0, 1, 1], [], []>, transpose_lhs_hint = false} : vector<4096x32xf32>, vector<32x50xf32>, vector<4096x50xf32> -> vector<4096x50xf32>
    %get3A_8 = arith.constant 0 : index
    %get3A_9 = arith.constant 0 : index
    %get3A_10 = vector.load %arg1[%get3A_8, %get3A_9] : memref<4096x1xf32, #tpu.memory_space<vmem>>, vector<4096x1xf32>
    %get3A_11 = arith.constant 0 : index
    %get3A_12 = arith.constant 0 : index
    %get3A_13 = vector.load %arg3[%get3A_11, %get3A_12] : memref<1x50xf32, #tpu.memory_space<vmem>>, vector<1x50xf32>
    %mul3A_14 = vector.broadcast %get3A_10 : vector<4096x1xf32> to vector<4096x50xf32>
    %mul3A_15 = vector.broadcast %get3A_13 : vector<1x50xf32> to vector<4096x50xf32>
    %mul3A_16 = arith.mulf %mul3A_14, %mul3A_15 : vector<4096x50xf32>
    %add3A = arith.addf %dot_general3A_7, %mul3A_16 : vector<4096x50xf32>
    %get3A_17 = arith.constant 0 : index
    %get3A_18 = arith.constant 0 : index
    %get3A_19 = vector.load %arg4[%get3A_17, %get3A_18] : memref<1x50xf32, #tpu.memory_space<vmem>>, vector<1x50xf32>
    %add3A_20 = vector.broadcast %get3A_19 : vector<1x50xf32> to vector<4096x50xf32>
    %add3A_21 = arith.addf %add3A, %add3A_20 : vector<4096x50xf32>
    %get3A_22 = arith.constant 0 : index
    %get3A_23 = arith.constant 0 : index
    %get3A_24 = vector.load %arg5[%get3A_22, %get3A_23] : memref<50x100xf32, #tpu.memory_space<vmem>>, vector<50x100xf32>
    %dot_general3A_25 = arith.constant dense<0.000000e+00> : vector<4096x100xf32>
    %dot_general3A_26 = tpu.matmul %add3A_21, %get3A_24, %dot_general3A_25 {dimension_numbers = #tpu.dot_dimension_numbers<[1], [0], [0], [1], [0, 0, 1, 1], [], []>, transpose_lhs_hint = false} : vector<4096x50xf32>, vector<50x100xf32>, vector<4096x100xf32> -> vector<4096x100xf32>
    %get3A_27 = arith.constant 0 : index
    %get3A_28 = arith.constant 0 : index
    %get3A_29 = vector.load %arg6[%get3A_27, %get3A_28] : memref<1x100xf32, #tpu.memory_space<vmem>>, vector<1x100xf32>
    %add3A_30 = vector.broadcast %get3A_29 : vector<1x100xf32> to vector<4096x100xf32>
    %add3A_31 = arith.addf %dot_general3A_26, %add3A_30 : vector<4096x100xf32>
    %reduce_max3A = arith.constant dense<0xFF800000> : vector<4096xf32>
    %reduce_max3A_32 = vector.multi_reduction <maximumf>, %add3A_31, %reduce_max3A [1] : vector<4096x100xf32> to vector<4096xf32>
    %broadcast_in_dim3A = vector.shape_cast %reduce_max3A_32 : vector<4096xf32> to vector<4096x1xf32>
    %sub3A = vector.broadcast %broadcast_in_dim3A : vector<4096x1xf32> to vector<4096x100xf32>
    %sub3A_33 = arith.subf %add3A_31, %sub3A : vector<4096x100xf32>
    %exp3A = math.exp %sub3A_33 : vector<4096x100xf32>
    %reduce_sum3A = arith.constant dense<0.000000e+00> : vector<4096xf32>
    %reduce_sum3A_34 = vector.multi_reduction <add>, %exp3A, %reduce_sum3A [1] : vector<4096x100xf32> to vector<4096xf32>
    %broadcast_in_dim3A_35 = vector.shape_cast %reduce_sum3A_34 : vector<4096xf32> to vector<4096x1xf32>
    %log3A = math.log %broadcast_in_dim3A_35 : vector<4096x1xf32>
    %sub3A_36 = vector.broadcast %log3A : vector<4096x1xf32> to vector<4096x100xf32>
    %sub3A_37 = arith.subf %sub3A_33, %sub3A_36 : vector<4096x100xf32>
    %swap3A = arith.constant 0 : index
    %swap3A_38 = arith.constant 0 : index
    %swap3A_39 = vector.load %arg7[%swap3A, %swap3A_38] : memref<4096x100xf32, #tpu.memory_space<vmem>>, vector<4096x100xf32>
    tpu.vector_store %arg7[%swap3A, %swap3A_38], %sub3A_37 {strides = array<i32>} : memref<4096x100xf32, #tpu.memory_space<vmem>>, vector<4096x100xf32>,
    return
  }
}

</mosaic_0001>

<sc_bundles>
// kernel: kernel.5.cloned.1.call-start
scs
__scs_entry_jumppad:
0x0: {  	(pc) =	sbr.rel $0x88, $3  }
0x1: {  	(tag) =	ssettag $0x0;
	lr =	simm.s32 $0x1  }
0x2: {  	[smem:$0x3F9A] =	sst lr;
	_ =	strace $0xD0000000  }
0x3: {  	_ = 	snop  }
0x4: {  	_ = 	snop  }
0x5: {  	_ = 	snop  }
0x6: {  	_ = 	snop  }
0x7: {  	_ = 	snop  }
__scs_overlays_trampoline_lowered:
0x8: {  	[smem:$0x3FA9] =	sst s0  }
0x9: {  	[smem:$0x3FAA] =	sst s1  }
0xa: {  	[smem:$0x3FAB] =	sst s2  }
0xb: {  	[smem:$0x3FAC] =	sst s3  }
0xc: {  	[smem:$0x3FAD] =	sst s4  }
0xd: {  	[smem:$0x3FAE] =	sst s5  }
0xe: {  	[smem:$0x3FAF] =	sst s6  }
0xf: {  	[smem:$0x3FB0] =	sst s7  }
0x10: {  	[smem:$0x3FB1] =	sst s8  }
0x11: {  	[smem:$0x3FB2] =	sst s9;
	s0 =	simm.s32 @!p0 $0x0  }
0x12: {  	s1 =	sld [smem:$0x3F98];
	s0 =	simm.s32 @p0 $0x1  }
0x13: {  	[smem:$0x3FB3] =	sst s0;
	s0 =	simm.s32 @!p1 $0x0  }
0x14: {  	s2 =	sld [smem:$0x3F97];
	s0 =	simm.s32 @p1 $0x1  }
0x15: {  	[smem:$0x3FB4] =	sst s0;
	s0 =	simm.s32 @!p2 $0x0  }
0x16: {  	s3 =	sld [smem:$0x3FDB];
	s0 =	simm.s32 @p2 $0x1  }
0x17: {  	s4 =	simm.s32 $0x1BF5;
	[smem:$0x3FB6] =	sst s0  }
0x18: {  	s0 =	sld [smem:$0x3F99];
	_ =	swait.ge [sflag:s4], $0x0  }
0x19: {  	s7 =	sld [smem:$0x3F9A]  }
0x1a: {  	s8 =	sadd.s32 $0xFFFFE003, lr  }
0x1b: {  	s9 =	sadd.s32 $0xFFFFFEF7, lr;
	s5 =	simm.s32 $0xFFFFFFFF;
	p2 =	slt.u32 s8, $0xFFFFF086  }
0x1c: {  	p1 =	slt.u32 s9, $0xF7A;
	s5 =	simm.s32 @!p2 $0x0  }
0x1d: {  	s5 =	simm.s32 @p1 $0x1;
	p0 =	seq.s32 s7, s2  }
0x1e: {  	s7 =	smul.u32 @!p0 $0xF7A, s2;
	p2 =	seq.s32 @!p0 s5, $0x0  }
0x1f: {  	s9 =	smul.u32 $0xF7A, s1;
	s8 =	simm.s32 @!p0 $0x1BF5;
	p2 =	por !p2, p0  }
0x20: {  	[sflag:s8] =	ssyncset.s32 @!p0 $0xFFFFF086;
	s6 =	sadd.s32 @!p0 s3, s7;
	s7 =	simm.s32 @!p0 $0x108  }
0x21: {  	s3 =	sadd.s32 s3, s9;
	s6 =	sadd.s32 @!p0 $0x88, s6;
	s7 =	simm.s32 @p2 $0x1082  }
0x22: {  	[simem:s7], [sflag:s8] =	dma.local @!p0 [hbm:s6], $0xF7A  }
0x23: {  	s9 =	sor.u32 $0xD0000000, s2;
	s6 =	simm.s32 $0x108;
	_ =	swait.ge @!p0 [sflag:s8], $0x0  }
0x24: {  	s3 =	sadd.s32 $0x88, s3;
	s6 =	simm.s32 @!p1 $0x1082;
	[sflag:s4] =	ssyncset.s32 $0xFFFFF086  }
0x25: {  	[simem:s6], [sflag:s4] =	dma.local [hbm:s3], $0xF7A  }
0x26: {  	[smem:$0x3F9A] =	sst s1;
	(tag) =	ssettag s2;
	_ =	strace s9  }
0x27: {  	s1 =	sld [smem:$0x3FAA]  }
0x28: {  	s2 =	sld [smem:$0x3FAB]  }
0x29: {  	s4 =	sld [smem:$0x3FAD]  }
0x2a: {  	p0 =	seq.s32 s5, $0x0;
	s5 =	sld [smem:$0x3FAE]  }
0x2b: {  	s6 =	sld [smem:$0x3FAF]  }
0x2c: {  	s7 =	sld [smem:$0x3FB0]  }
0x2d: {  	s3 =	simm.s32 $0x108;
	s8 =	sld [smem:$0x3FB1]  }
0x2e: {  	s3 =	simm.s32 @!p0 $0x1082;
	s9 =	sld [smem:$0x3FB2]  }
0x2f: {  	lr =	sadd.s32 s0, s3;
	s0 =	sld [smem:$0x3FA9]  }
0x30: {  	s3 =	sld [smem:$0x3FAC]  }
0x31: {  	[smem:$0x3FB5] =	sst s10  }
0x32: {  	s10 =	sld [smem:$0x3FB3];
	_ =	sdelay $0x3  }
0x33: {  	p0 =	seq.s32 s10, $0x1;
	s10 =	sld [smem:$0x3FB5];
	_ =	sdelay $0x3  }
0x34: {  	[smem:$0x3FB5] =	sst s10  }
0x35: {  	s10 =	sld [smem:$0x3FB4];
	_ =	sdelay $0x3  }
0x36: {  	p1 =	seq.s32 s10, $0x1;
	s10 =	sld [smem:$0x3FB5];
	_ =	sdelay $0x3  }
0x37: {  	[smem:$0x3FB5] =	sst s10  }
0x38: {  	s10 =	sld [smem:$0x3FB6]  }
0x39: {  	_ = 	snop;
	(pc) =	sbr.ind lr, $3  }
0x3a: {  	_ = 	snop  }
0x3b: {  	_ = 	snop  }
0x3c: {  	p2 =	seq.s32 s10, $0x1;
	s10 =	sld [smem:$0x3FB5]  }
0x3d: {  	_ =	shalt  }
0x3e: {  	_ =	shalt  }
0x3f: {  	_ =	shalt  }
0x40: {  	_ =	shalt  }
0x41: {  	_ =	shalt  }
0x42: {  	_ =	shalt  }
0x43: {  	_ =	shalt  }
0x44: {  	_ =	shalt  }
0x45: {  	_ =	shalt  }
0x46: {  	_ =	shalt  }
0x47: {  	_ =	shalt  }
0x48: {  	_ =	shalt  }
0x49: {  	_ =	shalt  }
0x4a: {  	_ =	shalt  }
0x4b: {  	_ =	shalt  }
0x4c: {  	_ =	shalt  }
0x4d: {  	_ =	shalt  }
0x4e: {  	_ =	shalt  }
0x4f: {  	_ =	shalt  }
0x50: {  	_ =	shalt  }
0x51: {  	_ =	shalt  }
0x52: {  	_ =	shalt  }
0x53: {  	_ =	shalt  }
0x54: {  	_ =	shalt  }
0x55: {  	_ =	shalt  }
0x56: {  	_ =	shalt  }
0x57: {  	_ =	shalt  }
0x58: {  	_ =	shalt  }
0x59: {  	_ =	shalt  }
0x5a: {  	_ =	shalt  }
0x5b: {  	_ =	shalt  }
0x5c: {  	_ =	shalt  }
0x5d: {  	_ =	shalt  }
0x5e: {  	_ =	shalt  }
0x5f: {  	_ =	shalt  }
0x60: {  	_ =	shalt  }
0x61: {  	_ =	shalt  }
0x62: {  	_ =	shalt  }
0x63: {  	_ =	shalt  }
0x64: {  	_ =	shalt  }
0x65: {  	_ =	shalt  }
0x66: {  	_ =	shalt  }
0x67: {  	_ =	shalt  }
0x68: {  	_ =	shalt  }
0x69: {  	_ =	shalt  }
0x6a: {  	_ =	shalt  }
0x6b: {  	_ =	shalt  }
0x6c: {  	_ =	shalt  }
0x6d: {  	_ =	shalt  }
0x6e: {  	_ =	shalt  }
0x6f: {  	_ =	shalt  }
0x70: {  	_ =	shalt  }
0x71: {  	_ =	shalt  }
0x72: {  	_ =	shalt  }
0x73: {  	_ =	shalt  }
0x74: {  	_ =	shalt  }
0x75: {  	_ =	shalt  }
0x76: {  	_ =	shalt  }
0x77: {  	_ =	shalt  }
0x78: {  	_ =	shalt  }
0x79: {  	_ =	shalt  }
0x7a: {  	_ =	shalt  }
0x7b: {  	_ =	shalt  }
0x7c: {  	_ =	shalt  }
0x7d: {  	_ =	shalt  }
0x7e: {  	_ =	shalt  }
0x7f: {  	_ =	shalt  }
0x80: {  	_ =	shalt  }
0x81: {  	_ =	shalt  }
0x82: {  	_ =	shalt  }
0x83: {  	_ =	shalt  }
0x84: {  	_ =	shalt  }
0x85: {  	_ =	shalt  }
0x86: {  	_ =	shalt  }
0x87: {  	_ =	shalt  }
.Lfunc_end0:
.L_simem_size_0:
called_computation_lowered:
.L_overlay_start_0:
0x88: {  	s2 =	sld [smem:$0x3FD9]  }
0x89: {  	s3 =	sld [smem:$0x3FFE];
	_ =	sdelay $0x1  }
0x8a: {  	s1 =	srdreg.scid  }
0x8b: {  	s0 =	sand.u32 $0x1, s1  }
0x8c: {  	s17 =	sshll.u32 s0, $0xA;
	s2 =	sadd.s32 s3, s2  }
0x8d: {  	s2 =	sadd.s32 s2, s17  }
0x8e: {  	[smem:$0x3FC1] =	sst s2  }
0x8f: {  	_ = 	snop  }
0x90: {  	s2 =	sld [smem:$0x3FD0];
	(tm) =	ssettm $0x1  }
0x91: {  	s18 =	sld [smem:$0x3FFB];
	_ =	sdelay $0x3  }
0x92: {  	_ =	strace s18  }
0x93: {  	s3 =	sld [smem:$0x3FFC];
	_ =	sdelay $0x3  }
0x94: {  	_ =	strace s3  }
0x95: {  	s3 =	sld [smem:$0x3FFD];
	_ =	sdelay $0x3  }
0x96: {  	_ =	strace s3  }
0x97: {  	_ =	strace $0x8FFFFFFF  }
0x98: {  	s19 =	sld [smem:$0x3FDB];
	_ =	sdelay $0x1  }
0x99: {  	s4 =	simm.s32 $_scs_section_size  }
0x9a: {  	s5 =	simm.s32 $_size__tile_overlayer_lowered;
	s6 =	simm.s32 $_tile_overlayer_lowered  }
0x9b: {  	s22 =	simm.s32 $0x1BFF;
	s21 =	sshll.u32 s6, $0x1;
	s3 =	sadd.s32 s4, s19  }
0x9c: {  	s7 =	simm.s32 $0x0;
	s20 =	sshll.u32 s5, $0x1;
	s5 =	sadd.s32 s21, s3  }
0x9d: {  	[timem:s7], [sflag:s22] =	dma.local [hbm:s5], s20  }
0x9e: {  	_ =	swait.ge [sflag:s22], s20  }
0x9f: {  	s4 =	ssub.s32 $0x0, s20;
	[sflag:s22] =	ssyncset.done $0x0  }
0xa0: {  	[sflag:s22] =	ssyncadd.s32 s4;
	_ =	sdelay $0x1  }
0xa1: {  	s23 =	simm.s32 $0x1B8B  }
0xa2: {  	_ =	swait.ge [sflag:s23], $0x1  }
0xa3: {  	[sflag:s23] =	ssyncset.done $0x0  }
0xa4: {  	s25 =	simm.s32 $0x1B8E;
	s24 =	sld [smem:$0x3FFE];
	[sflag:s23] =	ssyncadd.s32 $0xFFFFFFFF  }
0xa5: {  	s26 =	simm.s32 $execute0_lowered;
	[smem:$0x3FD2] =	sst s25  }
0xa6: {  	s5 =	sshll.u32 s26, $0x1;
	_ =	strace $0x80000046;
	[dreg:$0x1] =	wrdreg $0xFFFFFFFF  }
0xa7: {  	s28 =	simm.s32 $_size_execute0_lowered;
	s3 =	sadd.s32 s3, s5;
	[dreg:$0x0] =	wrdreg $0x0  }
0xa8: {  	s5 =	sshll.u32 s28, $0x1;
	[dreg:$0x2] =	wrdreg s3  }
0xa9: {  	[dreg:$0x3] =	wrdreg s5  }
0xaa: {  	[dreg:$0x4] =	wrdreg $0xC0  }
0xab: {  	_ =	task [dreg:s7], $0x5FFFF  }
0xac: {  	[dreg:$0x1] =	wrdreg $0xFFFFFFFF  }
0xad: {  	[dreg:$0x0] =	wrdreg $0x60  }
0xae: {  	[dreg:$0x2] =	wrdreg s24  }
0xaf: {  	[dreg:$0x3] =	wrdreg s2  }
0xb0: {  	[dreg:$0x4] =	wrdreg $0x9  }
0xb1: {  	_ =	task.clear_ibuf [dreg:s7], $0x5FFFF;
	_ =	strace $0x90000046  }
0xb2: {  	s29 =	simm.s32 $0x9;
	_ =	strace $0x80000048  }
0xb3: {  	_ =	swait.ge [sflag:s29], $0x1  }
0xb4: {  	[sflag:s29] =	ssyncadd.s32 $0xFFFFFFFF  }
0xb5: {  	_ =	strace $0x90000048  }
0xb6: {  	_ =	sfence  }
0xb7: {  	s30 =	sld [smem:$0x0];
	_ =	sdelay $0x2  }
0xb8: {  	s31 =	sshll.u32 s1, $0xD;
	s1 =	sshrl.u32 s1, $0x2  }
0xb9: {  	s3 =	sand.u32 $0x4000, s31;
	s1 =	sadd.s32 s1, s30  }
0xba: {  	s0 =	sor.u32 s3, s0;
	s1 =	sshll.u32 s1, $0x11  }
0xbb: {  	s0 =	sor.u32 s1, s0  }
0xbc: {  	s0 =	sadd.s32 $0x8F2B, s0  }
0xbd: {  	[sflag:s0] =	ssyncadd.remote.s32 $0x1  }
0xbe: {  	_ =	sfence.sel $0xFFFF  }
0xbf: {  	[dreg:$0x0] =	wrdreg $0xFFFFFFFF;
	(pc) =	sbr.abs _section_cstart, $3  }
0xc0: {  	[dreg:$0x1] =	wrdreg $0xFFFFFFFF  }
0xc1: {  	_ =	task.clear_ibuf [dreg:s7], $0x2FFFF;
	_ =	strace $0x9FFFFFFF  }
0xc2: {  	(tm) =	ssettm $0x7FFFFFFF  }
0xc3: {  	_ =	shalt  }
tec
execute0_lowered:
.L_overlay_start_1:
0x0: {  	(tag) =	ssettag $0x1  }
0x1: {  	s1 =	srdreg.scid;
	s3 =	rddreg [dreg:$0x0]  }
0x2: {  	s0 =	stileid.u32;
	s5 =	rddreg [dreg:$0x1];
	s2 =	simm.s32 $0x0  }
0x3: {  	s9 =	simm.s32 $0x5;
	s10 =	simm.s32 $0x6400;
	s11 =	simm.s32 $0x7400  }
0x4: {  	s12 =	simm.s32 $0x100;
	s13 =	simm.s32 $0x8400;
	s14 =	simm.s32 $0x180  }
0x5: {  	s15 =	simm.s32 $0x9400;
	s16 =	simm.s32 $0x1;
	s17 =	simm.s32 $0x2  }
0x6: {  	s18 =	simm.s32 $0x3;
	s19 =	simm.s32 $0x4;
	s20 =	simm.s32 $0xA400  }
0x7: {  	s21 =	simm.s32 $0x0;
	s4 =	sand.u32 $0x1, s1;
	s1 =	rddreg [dreg:$0x2]  }
0x8: {  	s6 =	sshll.u32 s0, $0x8;
	[smem:$0x7FF] =	sst s2;
	s7 =	sshll.u32 s4, $0x7  }
.Ltmp0:
0x9: {  	s4 =	ssub.s32 $0x2, s4;
	s6 =	sor.u32 s7, s6;
	(pc) =	sbr.rel .LBB2_1-.Ltmp0, $4  }
0xa: {  	_ =	strace $0x80000047;
	s8 =	sshrl.u32 s4, $0x1;
	s7 =	sshrl.u32 s6, $0x3  }
0xb: {  	s8 =	ssub.s32 s4, s8;
	s6 =	sshll.u32 s6, $0x2;
	s7 =	sadd.s32 s7, s3  }
0xc: {  	s3 =	sadd.s32 $0x19E00, s3;
	s5 =	sadd.s32 s5, s6;
	s6 =	smax.u32 s8, $0x1  }
0xd: {  	v0 =	vimm.f32 $0.0e+00;
	s8 =	simm.s32 $0x1000;
	s4 =	sadd.s32 $0xE00, s7;
	s7 =	simm.s32 $0x80  }
.LBB2_14:
0xe: {  	s21 =	sadd.s32 $0x1, s21  }
0xf: {  	p0 =	sne.s32 s21, s6  }
.Ltmp1:
0x10: {  	_ = 	snop;
	(pc) =	sbr.rel @!p0 .LBB2_15-.Ltmp1, $4  }
0x11: {  	[hbm4b:s5+s2] =	stream.linear.scatter [tilespmem:s20], [sflag:$0x5], $0x1000, $0x38;
	[tilespmem:$0xB400] =	vst v63  }
0x12: {  	_ =	swait.ge [sflag:s9], $0x1000  }
0x13: {  	[sflag:s9] =	ssyncset.done $0x0  }
0x14: {  	[sflag:s9] =	ssyncadd.s32 $0xFFFFF000  }
.LBB2_1:
0x15: {  	[tilespmem:s2], [sflag:$0x5] =	stream.strided.gather [hbm4b:s4+s7], $0x6400, s8, s7, $0x38;
	[tilespmem:$0xB400] =	vst v63  }
0x16: {  	_ =	swait.ge [sflag:s9], $0x6400  }
0x17: {  	[sflag:s9] =	ssyncset.done $0x0  }
0x18: {  	s22 =	simm.s32 $0x0;
	s23 =	simm.s32 $0x400;
	[sflag:s9] =	ssyncadd.s32 $0xFFFF9C00  }
.LBB2_2:
0x19: {  	p0 =	sne.s32 s23, $0x3C00;
	[tilespmem:s22+$0xA4F0] =	vst v0  }
0x1a: {  	[tilespmem:s22+$0xA400] =	vst v0  }
0x1b: {  	[tilespmem:s22+$0xA410] =	vst v0  }
0x1c: {  	[tilespmem:s22+$0xA420] =	vst v0  }
0x1d: {  	[tilespmem:s22+$0xA430] =	vst v0  }
0x1e: {  	[tilespmem:s22+$0xA440] =	vst v0  }
0x1f: {  	[tilespmem:s22+$0xA450] =	vst v0  }
0x20: {  	[tilespmem:s22+$0xA460] =	vst v0  }
0x21: {  	[tilespmem:s22+$0xA470] =	vst v0  }
0x22: {  	[tilespmem:s22+$0xA480] =	vst v0  }
0x23: {  	[tilespmem:s22+$0xA490] =	vst v0  }
.Ltmp2:
0x24: {  	[tilespmem:s22+$0xA4A0] =	vst v0;
	(pc) =	sbr.rel @p0 .LBB2_2-.Ltmp2, $4  }
0x25: {  	[tilespmem:s22+$0xA4B0] =	vst v0  }
0x26: {  	[tilespmem:s22+$0xA4C0] =	vst v0  }
0x27: {  	[tilespmem:s22+$0xA4D0] =	vst v0  }
0x28: {  	[tilespmem:s22+$0xA4E0] =	vst v0;
	s22 =	sshra.s32 s23, $0x2;
	s23 =	sadd.s32 $0x400, s23  }
0x29: {  	[tilespmem:s22+$0xA4F0] =	vst v0  }
0x2a: {  	[tilespmem:s22+$0xA400] =	vst v0  }
0x2b: {  	[tilespmem:s22+$0xA410] =	vst v0  }
0x2c: {  	[tilespmem:s22+$0xA420] =	vst v0  }
0x2d: {  	[tilespmem:s22+$0xA430] =	vst v0  }
0x2e: {  	[tilespmem:s22+$0xA440] =	vst v0  }
0x2f: {  	[tilespmem:s22+$0xA450] =	vst v0  }
0x30: {  	[tilespmem:s22+$0xA460] =	vst v0  }
0x31: {  	[tilespmem:s22+$0xA470] =	vst v0  }
0x32: {  	[tilespmem:s22+$0xA480] =	vst v0  }
0x33: {  	[tilespmem:s22+$0xA490] =	vst v0  }
0x34: {  	[tilespmem:s22+$0xA4A0] =	vst v0  }
0x35: {  	[tilespmem:s22+$0xA4B0] =	vst v0  }
0x36: {  	[tilespmem:s22+$0xA4C0] =	vst v0  }
0x37: {  	[tilespmem:s22+$0xA4D0] =	vst v0  }
0x38: {  	[tilespmem:s22+$0xA4E0] =	vst v0;
	s22 =	simm.s32 $0x0  }
0x39: {  	[tilespmem:s10], [sflag:$0x1] =	stream.indirect.gather [hbm4b:s3+s7], $0x20, s22, s7, $0xb8;
	[tilespmem:$0xB400] =	vst v63  }
0x3a: {  	_ = 	snop  }
0x3b: {  	[tilespmem:s11], [sflag:$0x2] =	stream.indirect.gather [hbm4b:s3+s7], $0x20, s7, s7, $0xb8;
	[tilespmem:$0xB400] =	vst v63  }
0x3c: {  	_ = 	snop  }
0x3d: {  	[tilespmem:s13], [sflag:$0x3] =	stream.indirect.gather [hbm4b:s3+s7], $0x20, s12, s7, $0xb8;
	[tilespmem:$0xB400] =	vst v63  }
0x3e: {  	_ = 	snop  }
0x3f: {  	[tilespmem:s15], [sflag:$0x4] =	stream.indirect.gather [hbm4b:s3+s7], $0x20, s14, s7, $0xb8;
	[tilespmem:$0xB400] =	vst v63  }
.LBB2_4:
0x40: {  	_ =	swait.ge [sflag:s16], $0x1000  }
0x41: {  	[sflag:s16] =	ssyncset.done $0x0  }
0x42: {  	s24 =	simm.s32 $0x0;
	s23 =	simm.s32 $0x400;
	[sflag:s16] =	ssyncadd.s32 $0xFFFFF000  }
.LBB2_5:
0x43: {  	p0 =	sne.s32 s23, $0x3C00;
	v1 =	vld [tilespmem:s24+$0x64F0]  }
0x44: {  	v2 =	vld [tilespmem:s24+$0x6400]  }
0x45: {  	v3 =	vld [tilespmem:s24+$0x6410]  }
0x46: {  	v4 =	vld [tilespmem:s24+$0x6420]  }
0x47: {  	v5 =	vld [tilespmem:s24+$0x6430]  }
0x48: {  	[tilespmem:s24+$0xA4F0] =	vst.add.f32.msk $0xffff, v1  }
0x49: {  	v1 =	vld [tilespmem:s24+$0x6440]  }
0x4a: {  	v6 =	vld [tilespmem:s24+$0x6450]  }
0x4b: {  	v7 =	vld [tilespmem:s24+$0x6460]  }
0x4c: {  	v8 =	vld [tilespmem:s24+$0x6470]  }
0x4d: {  	v9 =	vld [tilespmem:s24+$0x6480]  }
0x4e: {  	v10 =	vld [tilespmem:s24+$0x6490]  }
0x4f: {  	v11 =	vld [tilespmem:s24+$0x64A0]  }
0x50: {  	v12 =	vld [tilespmem:s24+$0x64B0]  }
0x51: {  	v13 =	vld [tilespmem:s24+$0x64C0]  }
0x52: {  	v14 =	vld [tilespmem:s24+$0x64D0]  }
0x53: {  	v15 =	vld [tilespmem:s24+$0x64E0]  }
0x54: {  	[tilespmem:s24+$0xA400] =	vst.add.f32.msk $0xffff, v2  }
0x55: {  	[tilespmem:s24+$0xA410] =	vst.add.f32.msk $0xffff, v3  }
0x56: {  	[tilespmem:s24+$0xA420] =	vst.add.f32.msk $0xffff, v4  }
0x57: {  	[tilespmem:s24+$0xA430] =	vst.add.f32.msk $0xffff, v5  }
0x58: {  	[tilespmem:s24+$0xA440] =	vst.add.f32.msk $0xffff, v1  }
0x59: {  	[tilespmem:s24+$0xA450] =	vst.add.f32.msk $0xffff, v6  }
0x5a: {  	[tilespmem:s24+$0xA460] =	vst.add.f32.msk $0xffff, v7  }
0x5b: {  	[tilespmem:s24+$0xA470] =	vst.add.f32.msk $0xffff, v8  }
0x5c: {  	[tilespmem:s24+$0xA480] =	vst.add.f32.msk $0xffff, v9  }
0x5d: {  	[tilespmem:s24+$0xA490] =	vst.add.f32.msk $0xffff, v10  }
.Ltmp3:
0x5e: {  	[tilespmem:s24+$0xA4A0] =	vst.add.f32.msk $0xffff, v11;
	(pc) =	sbr.rel @p0 .LBB2_5-.Ltmp3, $4  }
0x5f: {  	[tilespmem:s24+$0xA4B0] =	vst.add.f32.msk $0xffff, v12  }
0x60: {  	[tilespmem:s24+$0xA4C0] =	vst.add.f32.msk $0xffff, v13  }
0x61: {  	[tilespmem:s24+$0xA4D0] =	vst.add.f32.msk $0xffff, v14  }
0x62: {  	[tilespmem:s24+$0xA4E0] =	vst.add.f32.msk $0xffff, v15;
	s24 =	sshra.s32 s23, $0x2;
	s23 =	sadd.s32 $0x400, s23  }
0x63: {  	v1 =	vld [tilespmem:s24+$0x64F0]  }
0x64: {  	v2 =	vld [tilespmem:s24+$0x6400]  }
0x65: {  	v3 =	vld [tilespmem:s24+$0x6410]  }
0x66: {  	v4 =	vld [tilespmem:s24+$0x6420]  }
0x67: {  	v5 =	vld [tilespmem:s24+$0x6430]  }
0x68: {  	v6 =	vld [tilespmem:s24+$0x6450]  }
0x69: {  	v7 =	vld [tilespmem:s24+$0x6460]  }
0x6a: {  	v8 =	vld [tilespmem:s24+$0x6470]  }
0x6b: {  	v9 =	vld [tilespmem:s24+$0x6480]  }
0x6c: {  	v10 =	vld [tilespmem:s24+$0x6490]  }
0x6d: {  	v11 =	vld [tilespmem:s24+$0x64A0]  }
0x6e: {  	v12 =	vld [tilespmem:s24+$0x64B0]  }
0x6f: {  	v13 =	vld [tilespmem:s24+$0x64C0]  }
0x70: {  	v14 =	vld [tilespmem:s24+$0x64D0]  }
0x71: {  	v15 =	vld [tilespmem:s24+$0x64E0]  }
0x72: {  	[tilespmem:s24+$0xA4F0] =	vst.add.f32.msk $0xffff, v1  }
0x73: {  	v1 =	vld [tilespmem:s24+$0x6440]  }
0x74: {  	[tilespmem:s24+$0xA400] =	vst.add.f32.msk $0xffff, v2  }
0x75: {  	[tilespmem:s24+$0xA410] =	vst.add.f32.msk $0xffff, v3  }
0x76: {  	[tilespmem:s24+$0xA420] =	vst.add.f32.msk $0xffff, v4  }
0x77: {  	[tilespmem:s24+$0xA430] =	vst.add.f32.msk $0xffff, v5  }
0x78: {  	[tilespmem:s24+$0xA450] =	vst.add.f32.msk $0xffff, v6  }
0x79: {  	[tilespmem:s24+$0xA460] =	vst.add.f32.msk $0xffff, v7  }
0x7a: {  	[tilespmem:s24+$0xA470] =	vst.add.f32.msk $0xffff, v8  }
0x7b: {  	[tilespmem:s24+$0xA480] =	vst.add.f32.msk $0xffff, v9  }
0x7c: {  	[tilespmem:s24+$0xA490] =	vst.add.f32.msk $0xffff, v10  }
0x7d: {  	[tilespmem:s24+$0xA4A0] =	vst.add.f32.msk $0xffff, v11  }
0x7e: {  	[tilespmem:s24+$0xA4B0] =	vst.add.f32.msk $0xffff, v12  }
0x7f: {  	p0 =	seq.s32 s22, $0x31;
	[tilespmem:s24+$0xA4C0] =	vst.add.f32.msk $0xffff, v13  }
0x80: {  	s23 =	sshll.u32 @!p0 s22, $0x9;
	[tilespmem:s24+$0xA4D0] =	vst.add.f32.msk $0xffff, v14  }
0x81: {  	s23 =	sand.u32 @!p0 $0x3FFFFE00, s23;
	[tilespmem:s24+$0xA4E0] =	vst.add.f32.msk $0xffff, v15  }
0x82: {  	s25 =	simm.s32 @!p0 $0x80;
	s26 =	simm.s32 @!p0 $0x6400;
	[tilespmem:s24+$0xA440] =	vst.add.f32.msk $0xffff, v1;
	s24 =	sadd.s32 @!p0 $0x200, s23  }
0x83: {  	[tilespmem:s26], [sflag:$0x1] =	stream.indirect.gather @!p0 [hbm4b:s3+s25], $0x20, s24, s25, $0xb8;
	[tilespmem:$0xB400] =	vst v63  }
0x84: {  	_ =	swait.ge [sflag:s17], $0x1000  }
0x85: {  	[sflag:s17] =	ssyncset.done $0x0  }
0x86: {  	s24 =	simm.s32 $0x0;
	s25 =	simm.s32 $0x400;
	[sflag:s17] =	ssyncadd.s32 $0xFFFFF000  }
.LBB2_7:
0x87: {  	p1 =	sne.s32 s25, $0x3C00;
	v1 =	vld [tilespmem:s24+$0x74F0]  }
0x88: {  	v2 =	vld [tilespmem:s24+$0x7400]  }
0x89: {  	v3 =	vld [tilespmem:s24+$0x7410]  }
0x8a: {  	v4 =	vld [tilespmem:s24+$0x7420]  }
0x8b: {  	v5 =	vld [tilespmem:s24+$0x7430]  }
0x8c: {  	[tilespmem:s24+$0xA4F0] =	vst.add.f32.msk $0xffff, v1  }
0x8d: {  	v1 =	vld [tilespmem:s24+$0x7440]  }
0x8e: {  	v6 =	vld [tilespmem:s24+$0x7450]  }
0x8f: {  	v7 =	vld [tilespmem:s24+$0x7460]  }
0x90: {  	v8 =	vld [tilespmem:s24+$0x7470]  }
0x91: {  	v9 =	vld [tilespmem:s24+$0x7480]  }
0x92: {  	v10 =	vld [tilespmem:s24+$0x7490]  }
0x93: {  	v11 =	vld [tilespmem:s24+$0x74A0]  }
0x94: {  	v12 =	vld [tilespmem:s24+$0x74B0]  }
0x95: {  	v13 =	vld [tilespmem:s24+$0x74C0]  }
0x96: {  	v14 =	vld [tilespmem:s24+$0x74D0]  }
0x97: {  	v15 =	vld [tilespmem:s24+$0x74E0]  }
0x98: {  	[tilespmem:s24+$0xA400] =	vst.add.f32.msk $0xffff, v2  }
0x99: {  	[tilespmem:s24+$0xA410] =	vst.add.f32.msk $0xffff, v3  }
0x9a: {  	[tilespmem:s24+$0xA420] =	vst.add.f32.msk $0xffff, v4  }
0x9b: {  	[tilespmem:s24+$0xA430] =	vst.add.f32.msk $0xffff, v5  }
0x9c: {  	[tilespmem:s24+$0xA440] =	vst.add.f32.msk $0xffff, v1  }
0x9d: {  	[tilespmem:s24+$0xA450] =	vst.add.f32.msk $0xffff, v6  }
0x9e: {  	[tilespmem:s24+$0xA460] =	vst.add.f32.msk $0xffff, v7  }
0x9f: {  	[tilespmem:s24+$0xA470] =	vst.add.f32.msk $0xffff, v8  }
0xa0: {  	[tilespmem:s24+$0xA480] =	vst.add.f32.msk $0xffff, v9  }
0xa1: {  	[tilespmem:s24+$0xA490] =	vst.add.f32.msk $0xffff, v10  }
.Ltmp4:
0xa2: {  	[tilespmem:s24+$0xA4A0] =	vst.add.f32.msk $0xffff, v11;
	(pc) =	sbr.rel @p1 .LBB2_7-.Ltmp4, $4  }
0xa3: {  	[tilespmem:s24+$0xA4B0] =	vst.add.f32.msk $0xffff, v12  }
0xa4: {  	[tilespmem:s24+$0xA4C0] =	vst.add.f32.msk $0xffff, v13  }
0xa5: {  	[tilespmem:s24+$0xA4D0] =	vst.add.f32.msk $0xffff, v14  }
0xa6: {  	[tilespmem:s24+$0xA4E0] =	vst.add.f32.msk $0xffff, v15;
	s24 =	sshra.s32 s25, $0x2;
	s25 =	sadd.s32 $0x400, s25  }
0xa7: {  	v1 =	vld [tilespmem:s24+$0x74F0]  }
0xa8: {  	v2 =	vld [tilespmem:s24+$0x7400]  }
0xa9: {  	v3 =	vld [tilespmem:s24+$0x7410]  }
0xaa: {  	v4 =	vld [tilespmem:s24+$0x7420]  }
0xab: {  	v5 =	vld [tilespmem:s24+$0x7430]  }
0xac: {  	v6 =	vld [tilespmem:s24+$0x7450]  }
0xad: {  	v7 =	vld [tilespmem:s24+$0x7460]  }
0xae: {  	v8 =	vld [tilespmem:s24+$0x7470]  }
0xaf: {  	v9 =	vld [tilespmem:s24+$0x7480]  }
0xb0: {  	v10 =	vld [tilespmem:s24+$0x7490]  }
0xb1: {  	v11 =	vld [tilespmem:s24+$0x74A0]  }
0xb2: {  	v12 =	vld [tilespmem:s24+$0x74B0]  }
0xb3: {  	v13 =	vld [tilespmem:s24+$0x74C0]  }
0xb4: {  	v14 =	vld [tilespmem:s24+$0x74D0]  }
0xb5: {  	v15 =	vld [tilespmem:s24+$0x74E0]  }
0xb6: {  	[tilespmem:s24+$0xA4F0] =	vst.add.f32.msk $0xffff, v1  }
0xb7: {  	v1 =	vld [tilespmem:s24+$0x7440]  }
0xb8: {  	[tilespmem:s24+$0xA400] =	vst.add.f32.msk $0xffff, v2  }
0xb9: {  	[tilespmem:s24+$0xA410] =	vst.add.f32.msk $0xffff, v3  }
0xba: {  	[tilespmem:s24+$0xA420] =	vst.add.f32.msk $0xffff, v4  }
0xbb: {  	[tilespmem:s24+$0xA430] =	vst.add.f32.msk $0xffff, v5  }
0xbc: {  	[tilespmem:s24+$0xA450] =	vst.add.f32.msk $0xffff, v6  }
0xbd: {  	[tilespmem:s24+$0xA460] =	vst.add.f32.msk $0xffff, v7  }
0xbe: {  	[tilespmem:s24+$0xA470] =	vst.add.f32.msk $0xffff, v8  }
0xbf: {  	[tilespmem:s24+$0xA480] =	vst.add.f32.msk $0xffff, v9  }
0xc0: {  	[tilespmem:s24+$0xA490] =	vst.add.f32.msk $0xffff, v10  }
0xc1: {  	[tilespmem:s24+$0xA4A0] =	vst.add.f32.msk $0xffff, v11  }
0xc2: {  	[tilespmem:s24+$0xA4B0] =	vst.add.f32.msk $0xffff, v12  }
0xc3: {  	[tilespmem:s24+$0xA4C0] =	vst.add.f32.msk $0xffff, v13  }
0xc4: {  	[tilespmem:s24+$0xA4D0] =	vst.add.f32.msk $0xffff, v14  }
0xc5: {  	[tilespmem:s24+$0xA4E0] =	vst.add.f32.msk $0xffff, v15  }
0xc6: {  	s25 =	simm.s32 @!p0 $0x80;
	s26 =	simm.s32 @!p0 $0x7400;
	[tilespmem:s24+$0xA440] =	vst.add.f32.msk $0xffff, v1;
	s24 =	sadd.s32 @!p0 $0x280, s23  }
0xc7: {  	[tilespmem:s26], [sflag:$0x2] =	stream.indirect.gather @!p0 [hbm4b:s3+s25], $0x20, s24, s25, $0xb8;
	[tilespmem:$0xB400] =	vst v63  }
0xc8: {  	_ =	swait.ge [sflag:s18], $0x1000  }
0xc9: {  	[sflag:s18] =	ssyncset.done $0x0  }
0xca: {  	s24 =	simm.s32 $0x0;
	s25 =	simm.s32 $0x400;
	[sflag:s18] =	ssyncadd.s32 $0xFFFFF000  }
.LBB2_9:
0xcb: {  	p1 =	sne.s32 s25, $0x3C00;
	v1 =	vld [tilespmem:s24+$0x84F0]  }
0xcc: {  	v2 =	vld [tilespmem:s24+$0x8400]  }
0xcd: {  	v3 =	vld [tilespmem:s24+$0x8410]  }
0xce: {  	v4 =	vld [tilespmem:s24+$0x8420]  }
0xcf: {  	v5 =	vld [tilespmem:s24+$0x8430]  }
0xd0: {  	[tilespmem:s24+$0xA4F0] =	vst.add.f32.msk $0xffff, v1  }
0xd1: {  	v1 =	vld [tilespmem:s24+$0x8440]  }
0xd2: {  	v6 =	vld [tilespmem:s24+$0x8450]  }
0xd3: {  	v7 =	vld [tilespmem:s24+$0x8460]  }
0xd4: {  	v8 =	vld [tilespmem:s24+$0x8470]  }
0xd5: {  	v9 =	vld [tilespmem:s24+$0x8480]  }
0xd6: {  	v10 =	vld [tilespmem:s24+$0x8490]  }
0xd7: {  	v11 =	vld [tilespmem:s24+$0x84A0]  }
0xd8: {  	v12 =	vld [tilespmem:s24+$0x84B0]  }
0xd9: {  	v13 =	vld [tilespmem:s24+$0x84C0]  }
0xda: {  	v14 =	vld [tilespmem:s24+$0x84D0]  }
0xdb: {  	v15 =	vld [tilespmem:s24+$0x84E0]  }
0xdc: {  	[tilespmem:s24+$0xA400] =	vst.add.f32.msk $0xffff, v2  }
0xdd: {  	[tilespmem:s24+$0xA410] =	vst.add.f32.msk $0xffff, v3  }
0xde: {  	[tilespmem:s24+$0xA420] =	vst.add.f32.msk $0xffff, v4  }
0xdf: {  	[tilespmem:s24+$0xA430] =	vst.add.f32.msk $0xffff, v5  }
0xe0: {  	[tilespmem:s24+$0xA440] =	vst.add.f32.msk $0xffff, v1  }
0xe1: {  	[tilespmem:s24+$0xA450] =	vst.add.f32.msk $0xffff, v6  }
0xe2: {  	[tilespmem:s24+$0xA460] =	vst.add.f32.msk $0xffff, v7  }
0xe3: {  	[tilespmem:s24+$0xA470] =	vst.add.f32.msk $0xffff, v8  }
0xe4: {  	[tilespmem:s24+$0xA480] =	vst.add.f32.msk $0xffff, v9  }
0xe5: {  	[tilespmem:s24+$0xA490] =	vst.add.f32.msk $0xffff, v10  }
.Ltmp5:
0xe6: {  	[tilespmem:s24+$0xA4A0] =	vst.add.f32.msk $0xffff, v11;
	(pc) =	sbr.rel @p1 .LBB2_9-.Ltmp5, $4  }
0xe7: {  	[tilespmem:s24+$0xA4B0] =	vst.add.f32.msk $0xffff, v12  }
0xe8: {  	[tilespmem:s24+$0xA4C0] =	vst.add.f32.msk $0xffff, v13  }
0xe9: {  	[tilespmem:s24+$0xA4D0] =	vst.add.f32.msk $0xffff, v14  }
0xea: {  	[tilespmem:s24+$0xA4E0] =	vst.add.f32.msk $0xffff, v15;
	s24 =	sshra.s32 s25, $0x2;
	s25 =	sadd.s32 $0x400, s25  }
0xeb: {  	v1 =	vld [tilespmem:s24+$0x84F0]  }
0xec: {  	v2 =	vld [tilespmem:s24+$0x8400]  }
0xed: {  	v3 =	vld [tilespmem:s24+$0x8410]  }
0xee: {  	v4 =	vld [tilespmem:s24+$0x8420]  }
0xef: {  	v5 =	vld [tilespmem:s24+$0x8430]  }
0xf0: {  	v6 =	vld [tilespmem:s24+$0x8450]  }
0xf1: {  	v7 =	vld [tilespmem:s24+$0x8460]  }
0xf2: {  	v8 =	vld [tilespmem:s24+$0x8470]  }
0xf3: {  	v9 =	vld [tilespmem:s24+$0x8480]  }
0xf4: {  	v10 =	vld [tilespmem:s24+$0x8490]  }
0xf5: {  	v11 =	vld [tilespmem:s24+$0x84A0]  }
0xf6: {  	v12 =	vld [tilespmem:s24+$0x84B0]  }
0xf7: {  	v13 =	vld [tilespmem:s24+$0x84C0]  }
0xf8: {  	v14 =	vld [tilespmem:s24+$0x84D0]  }
0xf9: {  	v15 =	vld [tilespmem:s24+$0x84E0]  }
0xfa: {  	[tilespmem:s24+$0xA4F0] =	vst.add.f32.msk $0xffff, v1  }
0xfb: {  	v1 =	vld [tilespmem:s24+$0x8440]  }
0xfc: {  	[tilespmem:s24+$0xA400] =	vst.add.f32.msk $0xffff, v2  }
0xfd: {  	[tilespmem:s24+$0xA410] =	vst.add.f32.msk $0xffff, v3  }
0xfe: {  	[tilespmem:s24+$0xA420] =	vst.add.f32.msk $0xffff, v4  }
0xff: {  	[tilespmem:s24+$0xA430] =	vst.add.f32.msk $0xffff, v5  }
0x100: {  	[tilespmem:s24+$0xA450] =	vst.add.f32.msk $0xffff, v6  }
0x101: {  	[tilespmem:s24+$0xA460] =	vst.add.f32.msk $0xffff, v7  }
0x102: {  	[tilespmem:s24+$0xA470] =	vst.add.f32.msk $0xffff, v8  }
0x103: {  	[tilespmem:s24+$0xA480] =	vst.add.f32.msk $0xffff, v9  }
0x104: {  	[tilespmem:s24+$0xA490] =	vst.add.f32.msk $0xffff, v10  }
0x105: {  	[tilespmem:s24+$0xA4A0] =	vst.add.f32.msk $0xffff, v11  }
0x106: {  	[tilespmem:s24+$0xA4B0] =	vst.add.f32.msk $0xffff, v12  }
0x107: {  	[tilespmem:s24+$0xA4C0] =	vst.add.f32.msk $0xffff, v13  }
0x108: {  	[tilespmem:s24+$0xA4D0] =	vst.add.f32.msk $0xffff, v14  }
0x109: {  	[tilespmem:s24+$0xA4E0] =	vst.add.f32.msk $0xffff, v15  }
0x10a: {  	s23 =	sadd.s32 @!p0 $0x300, s23;
	s25 =	simm.s32 @!p0 $0x8400;
	[tilespmem:s24+$0xA440] =	vst.add.f32.msk $0xffff, v1;
	s24 =	simm.s32 @!p0 $0x80  }
0x10b: {  	[tilespmem:s25], [sflag:$0x3] =	stream.indirect.gather @!p0 [hbm4b:s3+s24], $0x20, s23, s24, $0xb8;
	[tilespmem:$0xB400] =	vst v63  }
0x10c: {  	_ =	swait.ge [sflag:s19], $0x1000  }
0x10d: {  	[sflag:s19] =	ssyncset.done $0x0  }
0x10e: {  	s23 =	simm.s32 $0x0;
	s24 =	simm.s32 $0x400;
	[sflag:s19] =	ssyncadd.s32 $0xFFFFF000  }
.LBB2_11:
0x10f: {  	p1 =	sne.s32 s24, $0x3C00;
	v1 =	vld [tilespmem:s23+$0x94F0]  }
0x110: {  	v2 =	vld [tilespmem:s23+$0x9400]  }
0x111: {  	v3 =	vld [tilespmem:s23+$0x9410]  }
0x112: {  	v4 =	vld [tilespmem:s23+$0x9420]  }
0x113: {  	v5 =	vld [tilespmem:s23+$0x9430]  }
0x114: {  	[tilespmem:s23+$0xA4F0] =	vst.add.f32.msk $0xffff, v1  }
0x115: {  	v1 =	vld [tilespmem:s23+$0x9440]  }
0x116: {  	v6 =	vld [tilespmem:s23+$0x9450]  }
0x117: {  	v7 =	vld [tilespmem:s23+$0x9460]  }
0x118: {  	v8 =	vld [tilespmem:s23+$0x9470]  }
0x119: {  	v9 =	vld [tilespmem:s23+$0x9480]  }
0x11a: {  	v10 =	vld [tilespmem:s23+$0x9490]  }
0x11b: {  	v11 =	vld [tilespmem:s23+$0x94A0]  }
0x11c: {  	v12 =	vld [tilespmem:s23+$0x94B0]  }
0x11d: {  	v13 =	vld [tilespmem:s23+$0x94C0]  }
0x11e: {  	v14 =	vld [tilespmem:s23+$0x94D0]  }
0x11f: {  	v15 =	vld [tilespmem:s23+$0x94E0]  }
0x120: {  	[tilespmem:s23+$0xA400] =	vst.add.f32.msk $0xffff, v2  }
0x121: {  	[tilespmem:s23+$0xA410] =	vst.add.f32.msk $0xffff, v3  }
0x122: {  	[tilespmem:s23+$0xA420] =	vst.add.f32.msk $0xffff, v4  }
0x123: {  	[tilespmem:s23+$0xA430] =	vst.add.f32.msk $0xffff, v5  }
0x124: {  	[tilespmem:s23+$0xA440] =	vst.add.f32.msk $0xffff, v1  }
0x125: {  	[tilespmem:s23+$0xA450] =	vst.add.f32.msk $0xffff, v6  }
0x126: {  	[tilespmem:s23+$0xA460] =	vst.add.f32.msk $0xffff, v7  }
0x127: {  	[tilespmem:s23+$0xA470] =	vst.add.f32.msk $0xffff, v8  }
0x128: {  	[tilespmem:s23+$0xA480] =	vst.add.f32.msk $0xffff, v9  }
0x129: {  	[tilespmem:s23+$0xA490] =	vst.add.f32.msk $0xffff, v10  }
.Ltmp6:
0x12a: {  	[tilespmem:s23+$0xA4A0] =	vst.add.f32.msk $0xffff, v11;
	(pc) =	sbr.rel @p1 .LBB2_11-.Ltmp6, $4  }
0x12b: {  	[tilespmem:s23+$0xA4B0] =	vst.add.f32.msk $0xffff, v12  }
0x12c: {  	[tilespmem:s23+$0xA4C0] =	vst.add.f32.msk $0xffff, v13  }
0x12d: {  	[tilespmem:s23+$0xA4D0] =	vst.add.f32.msk $0xffff, v14  }
0x12e: {  	[tilespmem:s23+$0xA4E0] =	vst.add.f32.msk $0xffff, v15;
	s23 =	sshra.s32 s24, $0x2;
	s24 =	sadd.s32 $0x400, s24  }
0x12f: {  	v1 =	vld [tilespmem:s23+$0x94F0]  }
0x130: {  	v2 =	vld [tilespmem:s23+$0x9400]  }
0x131: {  	v3 =	vld [tilespmem:s23+$0x9410]  }
0x132: {  	v4 =	vld [tilespmem:s23+$0x9420]  }
0x133: {  	v5 =	vld [tilespmem:s23+$0x9430]  }
0x134: {  	v6 =	vld [tilespmem:s23+$0x9450]  }
0x135: {  	v7 =	vld [tilespmem:s23+$0x9460]  }
0x136: {  	v8 =	vld [tilespmem:s23+$0x9470]  }
0x137: {  	v9 =	vld [tilespmem:s23+$0x9480]  }
0x138: {  	v10 =	vld [tilespmem:s23+$0x9490]  }
0x139: {  	v11 =	vld [tilespmem:s23+$0x94A0]  }
0x13a: {  	v12 =	vld [tilespmem:s23+$0x94B0]  }
0x13b: {  	v13 =	vld [tilespmem:s23+$0x94C0]  }
0x13c: {  	v14 =	vld [tilespmem:s23+$0x94D0]  }
0x13d: {  	v15 =	vld [tilespmem:s23+$0x94E0]  }
0x13e: {  	[tilespmem:s23+$0xA4F0] =	vst.add.f32.msk $0xffff, v1  }
0x13f: {  	v1 =	vld [tilespmem:s23+$0x9440]  }
0x140: {  	[tilespmem:s23+$0xA400] =	vst.add.f32.msk $0xffff, v2  }
0x141: {  	[tilespmem:s23+$0xA410] =	vst.add.f32.msk $0xffff, v3  }
0x142: {  	[tilespmem:s23+$0xA420] =	vst.add.f32.msk $0xffff, v4  }
0x143: {  	[tilespmem:s23+$0xA430] =	vst.add.f32.msk $0xffff, v5  }
0x144: {  	[tilespmem:s23+$0xA450] =	vst.add.f32.msk $0xffff, v6  }
0x145: {  	[tilespmem:s23+$0xA460] =	vst.add.f32.msk $0xffff, v7  }
0x146: {  	[tilespmem:s23+$0xA470] =	vst.add.f32.msk $0xffff, v8  }
0x147: {  	[tilespmem:s23+$0xA480] =	vst.add.f32.msk $0xffff, v9  }
0x148: {  	[tilespmem:s23+$0xA490] =	vst.add.f32.msk $0xffff, v10  }
0x149: {  	[tilespmem:s23+$0xA4A0] =	vst.add.f32.msk $0xffff, v11  }
.Ltmp7:
0x14a: {  	[tilespmem:s23+$0xA4B0] =	vst.add.f32.msk $0xffff, v12;
	(pc) =	sbr.rel @p0 .LBB2_14-.Ltmp7, $4  }
0x14b: {  	[tilespmem:s23+$0xA4C0] =	vst.add.f32.msk $0xffff, v13  }
0x14c: {  	[tilespmem:s23+$0xA4D0] =	vst.add.f32.msk $0xffff, v14  }
0x14d: {  	[tilespmem:s23+$0xA4E0] =	vst.add.f32.msk $0xffff, v15  }
0x14e: {  	[tilespmem:s23+$0xA440] =	vst.add.f32.msk $0xffff, v1  }
.Ltmp8:
0x14f: {  	(pc) =	sbr.rel .LBB2_4-.Ltmp8, $4  }
0x150: {  	s23 =	sshll.u32 s22, $0x9  }
0x151: {  	s23 =	sand.u32 $0x3FFFFE00, s23  }
0x152: {  	s22 =	sadd.s32 $0x1, s22;
	s23 =	sadd.s32 $0x380, s23  }
0x153: {  	[tilespmem:s15], [sflag:$0x4] =	stream.indirect.gather [hbm4b:s3+s7], $0x20, s23, s7, $0xb8;
	[tilespmem:$0xB400] =	vst v63  }
.LBB2_15:
0x154: {  	_ =	sfence.sel $0x180000  }
0x155: {  	[bflag:$0x0] =	sbarrier.arrive $0xFFFF  }
0x156: {  	p0 =	sne.s32 s0, $0x0;
	_ =	strace $0x90000047  }
0x157: {  	s0 =	sadd.s32 @!p0 $0x100000, s1;
	[bflag:$0x2] =	sbarrier.arrive $0xFFFF  }
0x158: {  	[sflag:s0] =	ssyncadd.tile.s32 @!p0 $0x1;
	_ =	shalt  }
.Lfunc_end2:
_tile_overlayer_lowered:
.L_overlay_start_2:
0x159: {  	(tag) =	ssettag $0x2  }
0x15a: {  	s0 =	rddreg [dreg:$0x0];
	s2 =	stileid.u32  }
0x15b: {  	s1 =	rddreg [dreg:$0x1];
	p0 =	sne.s32 s2, $0x0  }
0x15c: {  	s3 =	rddreg [dreg:$0x2];
	[bflag:$0x3] =	sbarrier.arrive $0xFFFF;
	s2 =	simm.s32 @!p0 $0x1C05  }
0x15d: {  	[timem:s3], [sflag:s2] =	dma.local @!p0 [hbm:s0], s1  }
0x15e: {  	s0 =	simm.s32 @!p0 $0x5  }
0x15f: {  	_ =	swait.ge @!p0 [sflag:s0], s1  }
0x160: {  	s1 =	ssub.s32 @!p0 $0x0, s1;
	[sflag:s0] =	ssyncset.done @!p0 $0x0  }
0x161: {  	[sflag:s0] =	ssyncadd.s32 @!p0 s1  }
0x162: {  	[bflag:$0x3] =	sbarrier.arrive $0xFFFF  }
0x163: {  	_ =	shalt  }

</sc_bundles>
